<compile_context>
chip_gen: v7x
topology: tpu7x:2x2x1
jax: 0.10.2.dev20260603
libtpu: 0.0.44.dev20260713+nightly
codegen_flags: <defaults>
</compile_context>

<pallas_src>
import functools

import jax
import jax.numpy as jnp
from jax import lax
from jax.experimental import pallas as pl
from jax.experimental.pallas import tpu as pltpu
from jax.experimental.pallas import tpu_sc as plsc

MAX_REL = 512
NUM_HEADS = 16
SEQ_LEN = 2048
TABLE_ROWS = 2 * MAX_REL + 1
BROWS = 128
NROW = SEQ_LEN // BROWS
ESW = (SEQ_LEN - BROWS) + SEQ_LEN
BLEN = 4096

_NC, _NS = 2, 16
_NW = _NC * _NS
_CPW = (NUM_HEADS * BLEN) // _NW



@functools.partial(
    pl.kernel,
    out_type=jax.ShapeDtypeStruct((NUM_HEADS * BLEN,), jnp.float32),
    mesh=plsc.VectorSubcoreMesh(core_axis_name="c", subcore_axis_name="s"),
    compiler_params=pltpu.CompilerParams(needs_layout_passes=False),
    scratch_types=[
        pltpu.VMEM((TABLE_ROWS * NUM_HEADS,), jnp.float32),
        pltpu.VMEM((_CPW,), jnp.float32),
    ],
)
def _diag_gather(tab_hbm, b_hbm, tab_v, out_v):
    wid = lax.axis_index("s") * _NC + lax.axis_index("c")
    h = wid // 2
    lane0 = (wid % 2) * _CPW
    pltpu.sync_copy(tab_hbm, tab_v)
    head = jnp.full((16,), h, dtype=jnp.int32)
    lane = jnp.arange(16, dtype=jnp.int32)

    def body(j, carry):
        c = lane0 + j * 16 + lane
        idx = jnp.clip(c - (SEQ_LEN - 1), -MAX_REL, MAX_REL) + MAX_REL
        out_v[pl.ds(j * 16, 16)] = plsc.load_gather(
            tab_v, [idx * NUM_HEADS + head])
        return carry

    lax.fori_loop(0, _CPW // 16, body, 0)
    pltpu.sync_copy(out_v, b_hbm.at[pl.ds(wid * _CPW, _CPW)])



def _toeplitz_body(b_ref, out_ref, es_ref):
    ib = pl.program_id(1)

    @pl.when(ib == 0)
    def _build():
        for r in range(BROWS):
            es_ref[r, :] = b_ref[0, 0, pl.ds(BROWS - 1 - r, ESW)]

    off = pl.multiple_of((NROW - 1 - ib) * BROWS, BROWS)
    out_ref[0] = es_ref[:, pl.ds(off, SEQ_LEN)]


def kernel(table, seq_len):
    del seq_len
    b = _diag_gather(table.reshape(-1))
    b = b.reshape(NUM_HEADS, 1, BLEN)

    return pl.pallas_call(
        _toeplitz_body,
        grid=(NUM_HEADS, NROW),
        in_specs=[pl.BlockSpec((1, 1, BLEN), lambda h, ib: (h, 0, 0))],
        out_specs=pl.BlockSpec((1, BROWS, SEQ_LEN), lambda h, ib: (h, ib, 0)),
        out_shape=jax.ShapeDtypeStruct((NUM_HEADS, SEQ_LEN, SEQ_LEN), jnp.float32),
        scratch_shapes=[pltpu.VMEM((BROWS, ESW), jnp.float32)],
    )(b)

# --- scband reference (transcript-rebuilt; emitter-appended) ---
"""Pipeline reference for scband-relative-position-bias-36593121362538 (READ-ONLY COPY).

The authoritative reference and input builder live on the scoring server;
editing this copy changes nothing except your own understanding.
"""

import jax, jax.numpy as jnp
import numpy as np

MAX_REL = 512
NUM_HEADS = 16
SEQ_LEN = 2048

def setup_inputs(seed: int = 0) -> dict:
    key = jax.random.key(seed)
    table = jax.random.normal(key, (2 * MAX_REL + 1, NUM_HEADS), dtype=jnp.float32)
    return {"table": table, "seq_len": 2048}

def reference(table, seq_len):
    positions = jnp.arange(SEQ_LEN) + (seq_len - SEQ_LEN)
    relative_positions = positions[None, :] - positions[:, None]
    relative_positions = jnp.clip(relative_positions, -MAX_REL, MAX_REL)
    relative_positions = relative_positions + MAX_REL
    # embedding lookup: gather rows of table by [seq_len, seq_len] index matrix
    bias = jnp.take(table, relative_positions, axis=0)  # [S, S, H]
    bias = jnp.transpose(bias, (2, 0, 1))  # [H, S, S]
    return bias

if __name__ == "__main__":
    import jax
    _d = setup_inputs()
    print(jax.jit(kernel)(*tuple(_d.values())))

</pallas_src>

<mosaic_0001>
#map = affine_map<(d0, d1) -> (0)>
module attributes {stable_mosaic.version = 14 : i64} {
  func.func @_diag_gather(%arg0: i32, %arg1: i32, %arg2: memref<16400xf32, #tpu.memory_space<hbm>>, %arg3: memref<65536xf32, #tpu.memory_space<hbm>>, %arg4: memref<16400xf32, #tpu.memory_space<vmem>>, %arg5: memref<2048xf32, #tpu.memory_space<vmem>>) attributes {dimension_semantics = [#tpu.dimension_semantics<core_parallel>, #tpu.dimension_semantics<subcore_parallel>], iteration_bounds = array<i64: 2, 16>, scalar_prefetch = 0 : i64, scratch_operands = 2 : i64, tpu.core_type = #tpu.core_type<sc_vector_subcore>, window_params = [{transform_indices = #map}, {transform_indices = #map}]} {
    %mul3A = arith.constant 2 : i32
    %mul3A_0 = arith.muli %arg1, %mul3A : i32
    %add3A = arith.addi %mul3A_0, %arg0 : i32
    %jit3A = arith.constant 2 : i32
    %div3A = arith.divsi %add3A, %jit3A : i32
    %sign3A = arith.constant 0 : i32
    %sign3A_1 = arith.cmpi sgt, %add3A, %sign3A : i32
    %sign3A_2 = arith.extui %sign3A_1 : i1 to i32
    %sign3A_3 = arith.constant 0 : i32
    %sign3A_4 = arith.cmpi slt, %add3A, %sign3A_3 : i32
    %sign3A_5 = arith.extui %sign3A_4 : i1 to i32
    %sign3A_6 = arith.subi %sign3A_2, %sign3A_5 : i32
    %sign3A_7 = arith.constant 0 : i32
    %sign3A_8 = arith.cmpi sgt, %jit3A, %sign3A_7 : i32
    %sign3A_9 = arith.extui %sign3A_8 : i1 to i32
    %sign3A_10 = arith.constant 0 : i32
    %sign3A_11 = arith.cmpi slt, %jit3A, %sign3A_10 : i32
    %sign3A_12 = arith.extui %sign3A_11 : i1 to i32
    %sign3A_13 = arith.subi %sign3A_9, %sign3A_12 : i32
    %ne3A = arith.cmpi ne, %sign3A_6, %sign3A_13 : i32
    %rem3A = arith.remsi %add3A, %jit3A : i32
    %ne3A_14 = arith.constant 0 : i32
    %ne3A_15 = arith.cmpi ne, %rem3A, %ne3A_14 : i32
    %and3A = arith.andi %ne3A, %ne3A_15 : i1
    %sub3A = arith.constant 1 : i32
    %sub3A_16 = arith.subi %div3A, %sub3A : i32
    %select_n3A = arith.select %and3A, %sub3A_16, %div3A : i32
    %jit3A_17 = arith.constant 2 : i32
    %eq3A = arith.constant 0 : i32
    %eq3A_18 = arith.cmpi eq, %jit3A_17, %eq3A : i32
    %jit3A_19 = arith.constant 1 : i32
    %select_n3A_20 = arith.select %eq3A_18, %jit3A_19, %jit3A_17 : i32
    %rem3A_21 = arith.remsi %add3A, %select_n3A_20 : i32
    %ne3A_22 = arith.constant 0 : i32
    %ne3A_23 = arith.cmpi ne, %rem3A_21, %ne3A_22 : i32
    %lt3A = arith.constant 0 : i32
    %lt3A_24 = arith.cmpi slt, %rem3A_21, %lt3A : i32
    %lt3A_25 = arith.constant 0 : i32
    %lt3A_26 = arith.cmpi slt, %select_n3A_20, %lt3A_25 : i32
    %ne3A_27 = arith.xori %lt3A_24, %lt3A_26 : i1
    %and3A_28 = arith.andi %ne3A_27, %ne3A_23 : i1
    %add3A_29 = arith.addi %rem3A_21, %select_n3A_20 : i32
    %select_n3A_30 = arith.select %and3A_28, %add3A_29, %rem3A_21 : i32
    %mul3A_31 = arith.constant 2048 : i32
    %mul3A_32 = arith.muli %select_n3A_30, %mul3A_31 : i32
    "tpu.region"() ({
      %run_scoped3A = tpu.sem_alloc : memref<!tpu.dma_semaphore, #tpu.memory_space<semaphore_mem>>
      tpu.enqueue_dma source(%arg2 : memref<16400xf32, #tpu.memory_space<hbm>>) target(%arg4 : memref<16400xf32, #tpu.memory_space<vmem>>) target_semaphore(%run_scoped3A : memref<!tpu.dma_semaphore, #tpu.memory_space<semaphore_mem>>)
      tpu.wait_dma2 semaphore(%run_scoped3A : memref<!tpu.dma_semaphore, #tpu.memory_space<semaphore_mem>>) src(%arg2 : memref<16400xf32, #tpu.memory_space<hbm>>) dst(%arg4 : memref<16400xf32, #tpu.memory_space<vmem>>)
      tpu.yield
    }) : () -> ()
    %broadcast_in_dim3A = vector.broadcast %select_n3A : i32 to vector<16xi32>
    %iota3A = tpu.iota {dimensions = array<i32: 0>} : vector<16xi32>
    %scan3A = arith.constant 0 : i32
    %scan3A_33 = arith.constant 0 : i32
    %scan3A_34 = arith.constant 128 : i32
    %scan3A_35 = arith.addi %scan3A_33, %scan3A_34 : i32
    %scan3A_36 = arith.constant 1 : i32
    scf.for %scan3A_40 = %scan3A_33 to %scan3A_35 step %scan3A_36  : i32 {
      %mul3A_41 = arith.constant 16 : i32
      %mul3A_42 = arith.muli %scan3A_40, %mul3A_41 : i32
      %add3A_43 = arith.addi %mul3A_32, %mul3A_42 : i32
      %add3A_44 = vector.broadcast %add3A_43 : i32 to vector<16xi32>
      %add3A_45 = arith.addi %add3A_44, %iota3A : vector<16xi32>
      %sub3A_46 = arith.constant 2047 : i32
      %sub3A_47 = vector.broadcast %sub3A_46 : i32 to vector<16xi32>
      %sub3A_48 = arith.subi %add3A_45, %sub3A_47 : vector<16xi32>
      %jit3A_49 = arith.constant -512 : i32
      %jit3A_50 = arith.constant 512 : i32
      %max3A = vector.broadcast %jit3A_49 : i32 to vector<16xi32>
      %max3A_51 = arith.maxsi %max3A, %sub3A_48 : vector<16xi32>
      %min3A = vector.broadcast %jit3A_50 : i32 to vector<16xi32>
      %min3A_52 = arith.minsi %min3A, %max3A_51 : vector<16xi32>
      %add3A_53 = arith.constant 512 : i32
      %add3A_54 = vector.broadcast %add3A_53 : i32 to vector<16xi32>
      %add3A_55 = arith.addi %min3A_52, %add3A_54 : vector<16xi32>
      %mul3A_56 = arith.constant 16 : i32
      %mul3A_57 = vector.broadcast %mul3A_56 : i32 to vector<16xi32>
      %mul3A_58 = arith.muli %add3A_55, %mul3A_57 : vector<16xi32>
      %add3A_59 = arith.addi %mul3A_58, %broadcast_in_dim3A : vector<16xi32>
      %gather3A = tpu.vector_load_idx %arg4[%add3A_59] : memref<16400xf32, #tpu.memory_space<vmem>>[vector<16xi32>], vector<16xf32>,
      %mul3A_60 = arith.constant 16 : i32
      %mul3A_61 = arith.muli %scan3A_40, %mul3A_60 : i32
      %swap3A = arith.index_cast %mul3A_61 : i32 to index
      %swap3A_62 = tpu.vector_load %arg5[%swap3A] {strides = array<i32>} : memref<2048xf32, #tpu.memory_space<vmem>>, vector<16xf32>,
      tpu.vector_store %arg5[%swap3A], %gather3A {strides = array<i32>} : memref<2048xf32, #tpu.memory_space<vmem>>, vector<16xf32>,
    }
    %scan3A_37 = arith.constant 128 : i32
    %mul3A_38 = arith.constant 2048 : i32
    %mul3A_39 = arith.muli %add3A, %mul3A_38 : i32
    "tpu.region"() ({
      %run_scoped3A = tpu.sem_alloc : memref<!tpu.dma_semaphore, #tpu.memory_space<semaphore_mem>>
      %dma_start3A = tpu.memref_slice %arg3[%mul3A_39] : memref<65536xf32, #tpu.memory_space<hbm>> -> memref<2048xf32, #tpu.memory_space<hbm>>
      %dma_start3A_40 = tpu.memref_slice %arg3[%mul3A_39] : memref<65536xf32, #tpu.memory_space<hbm>> -> memref<2048xf32, #tpu.memory_space<hbm>>
      tpu.enqueue_dma source(%arg5 : memref<2048xf32, #tpu.memory_space<vmem>>) target(%dma_start3A_40 : memref<2048xf32, #tpu.memory_space<hbm>>) target_semaphore(%run_scoped3A : memref<!tpu.dma_semaphore, #tpu.memory_space<semaphore_mem>>)
      %dma_wait3A = tpu.memref_slice %arg3[%mul3A_39] : memref<65536xf32, #tpu.memory_space<hbm>> -> memref<2048xf32, #tpu.memory_space<hbm>>
      %dma_wait3A_41 = tpu.memref_slice %arg3[%mul3A_39] : memref<65536xf32, #tpu.memory_space<hbm>> -> memref<2048xf32, #tpu.memory_space<hbm>>
      tpu.wait_dma2 semaphore(%run_scoped3A : memref<!tpu.dma_semaphore, #tpu.memory_space<semaphore_mem>>) src(%arg5 : memref<2048xf32, #tpu.memory_space<vmem>>) dst(%dma_wait3A_41 : memref<2048xf32, #tpu.memory_space<hbm>>)
      tpu.yield
    }) : () -> ()
    return
  }
}

module attributes {stable_mosaic.version = 14 : i64} {
  func.func @_toeplitz_body(%arg0: i32, %arg1: i32, %arg2: memref<1x1x4096xf32, #tpu.memory_space<vmem>>, %arg3: memref<1x128x2048xf32, #tpu.memory_space<vmem>>, %arg4: memref<128x3968xf32, #tpu.memory_space<vmem>>) attributes {dimension_semantics = [#tpu.dimension_semantics<arbitrary>, #tpu.dimension_semantics<arbitrary>], iteration_bounds = array<i64: 16, 16>, scalar_prefetch = 0 : i64, scratch_operands = 1 : i64, tpu.core_type = #tpu.core_type<tc>, window_params = [{transform_indices = @transform_0, window_bounds = array<i64: 1, 1, 4096>}, {transform_indices = @transform_1, window_bounds = array<i64: 1, 128, 2048>}]} {
    %eq3A = arith.constant 0 : i32
    %eq3A_0 = arith.cmpi eq, %arg1, %eq3A : i32
    %convert_element_type3A = arith.extui %eq3A_0 : i1 to i32
    %cond3A = arith.constant 0 : i32
    %cond3A_1 = arith.cmpi ne, %convert_element_type3A, %cond3A : i32
    scf.if %cond3A_1 {
      %get3A_11 = arith.constant 0 : index
      %get3A_12 = arith.constant 0 : index
      %get3A_13 = arith.constant 127 : index
      %get3A_14 = vector.load %arg2[%get3A_11, %get3A_12, %get3A_13] : memref<1x1x4096xf32, #tpu.memory_space<vmem>>, vector<1x1x3968xf32>
      %get3A_15 = vector.shape_cast %get3A_14 : vector<1x1x3968xf32> to vector<3968xf32>
      %swap3A_16 = arith.constant 0 : index
      %swap3A_17 = arith.constant 0 : index
      %swap3A_18 = vector.load %arg4[%swap3A_16, %swap3A_17] : memref<128x3968xf32, #tpu.memory_space<vmem>>, vector<1x3968xf32>
      %swap3A_19 = vector.shape_cast %swap3A_18 : vector<1x3968xf32> to vector<3968xf32>
      %swap3A_20 = vector.shape_cast %get3A_15 : vector<3968xf32> to vector<1x3968xf32>
      tpu.vector_store %arg4[%swap3A_16, %swap3A_17], %swap3A_20 {strides = array<i32>} : memref<128x3968xf32, #tpu.memory_space<vmem>>, vector<1x3968xf32>,
      %get3A_21 = arith.constant 0 : index
      %get3A_22 = arith.constant 0 : index
      %get3A_23 = arith.constant 126 : index
      %get3A_24 = vector.load %arg2[%get3A_21, %get3A_22, %get3A_23] : memref<1x1x4096xf32, #tpu.memory_space<vmem>>, vector<1x1x3968xf32>
      %get3A_25 = vector.shape_cast %get3A_24 : vector<1x1x3968xf32> to vector<3968xf32>
      %swap3A_26 = arith.constant 1 : index
      %swap3A_27 = arith.constant 0 : index
      %swap3A_28 = vector.load %arg4[%swap3A_26, %swap3A_27] : memref<128x3968xf32, #tpu.memory_space<vmem>>, vector<1x3968xf32>
      %swap3A_29 = vector.shape_cast %swap3A_28 : vector<1x3968xf32> to vector<3968xf32>
      %swap3A_30 = vector.shape_cast %get3A_25 : vector<3968xf32> to vector<1x3968xf32>
      tpu.vector_store %arg4[%swap3A_26, %swap3A_27], %swap3A_30 {strides = array<i32>} : memref<128x3968xf32, #tpu.memory_space<vmem>>, vector<1x3968xf32>,
      %get3A_31 = arith.constant 0 : index
      %get3A_32 = arith.constant 0 : index
      %get3A_33 = arith.constant 125 : index
      %get3A_34 = vector.load %arg2[%get3A_31, %get3A_32, %get3A_33] : memref<1x1x4096xf32, #tpu.memory_space<vmem>>, vector<1x1x3968xf32>
      %get3A_35 = vector.shape_cast %get3A_34 : vector<1x1x3968xf32> to vector<3968xf32>
      %swap3A_36 = arith.constant 2 : index
      %swap3A_37 = arith.constant 0 : index
      %swap3A_38 = vector.load %arg4[%swap3A_36, %swap3A_37] : memref<128x3968xf32, #tpu.memory_space<vmem>>, vector<1x3968xf32>
      %swap3A_39 = vector.shape_cast %swap3A_38 : vector<1x3968xf32> to vector<3968xf32>
      %swap3A_40 = vector.shape_cast %get3A_35 : vector<3968xf32> to vector<1x3968xf32>
      tpu.vector_store %arg4[%swap3A_36, %swap3A_37], %swap3A_40 {strides = array<i32>} : memref<128x3968xf32, #tpu.memory_space<vmem>>, vector<1x3968xf32>,
      %get3A_41 = arith.constant 0 : index
      %get3A_42 = arith.constant 0 : index
      %get3A_43 = arith.constant 124 : index
      %get3A_44 = vector.load %arg2[%get3A_41, %get3A_42, %get3A_43] : memref<1x1x4096xf32, #tpu.memory_space<vmem>>, vector<1x1x3968xf32>
      %get3A_45 = vector.shape_cast %get3A_44 : vector<1x1x3968xf32> to vector<3968xf32>
      %swap3A_46 = arith.constant 3 : index
      %swap3A_47 = arith.constant 0 : index
      %swap3A_48 = vector.load %arg4[%swap3A_46, %swap3A_47] : memref<128x3968xf32, #tpu.memory_space<vmem>>, vector<1x3968xf32>
      %swap3A_49 = vector.shape_cast %swap3A_48 : vector<1x3968xf32> to vector<3968xf32>
      %swap3A_50 = vector.shape_cast %get3A_45 : vector<3968xf32> to vector<1x3968xf32>
      tpu.vector_store %arg4[%swap3A_46, %swap3A_47], %swap3A_50 {strides = array<i32>} : memref<128x3968xf32, #tpu.memory_space<vmem>>, vector<1x3968xf32>,
      %get3A_51 = arith.constant 0 : index
      %get3A_52 = arith.constant 0 : index
      %get3A_53 = arith.constant 123 : index
      %get3A_54 = vector.load %arg2[%get3A_51, %get3A_52, %get3A_53] : memref<1x1x4096xf32, #tpu.memory_space<vmem>>, vector<1x1x3968xf32>
      %get3A_55 = vector.shape_cast %get3A_54 : vector<1x1x3968xf32> to vector<3968xf32>
      %swap3A_56 = arith.constant 4 : index
      %swap3A_57 = arith.constant 0 : index
      %swap3A_58 = vector.load %arg4[%swap3A_56, %swap3A_57] : memref<128x3968xf32, #tpu.memory_space<vmem>>, vector<1x3968xf32>
      %swap3A_59 = vector.shape_cast %swap3A_58 : vector<1x3968xf32> to vector<3968xf32>
      %swap3A_60 = vector.shape_cast %get3A_55 : vector<3968xf32> to vector<1x3968xf32>
      tpu.vector_store %arg4[%swap3A_56, %swap3A_57], %swap3A_60 {strides = array<i32>} : memref<128x3968xf32, #tpu.memory_space<vmem>>, vector<1x3968xf32>,
      %get3A_61 = arith.constant 0 : index
      %get3A_62 = arith.constant 0 : index
      %get3A_63 = arith.constant 122 : index
      %get3A_64 = vector.load %arg2[%get3A_61, %get3A_62, %get3A_63] : memref<1x1x4096xf32, #tpu.memory_space<vmem>>, vector<1x1x3968xf32>
      %get3A_65 = vector.shape_cast %get3A_64 : vector<1x1x3968xf32> to vector<3968xf32>
      %swap3A_66 = arith.constant 5 : index
      %swap3A_67 = arith.constant 0 : index
      %swap3A_68 = vector.load %arg4[%swap3A_66, %swap3A_67] : memref<128x3968xf32, #tpu.memory_space<vmem>>, vector<1x3968xf32>
      %swap3A_69 = vector.shape_cast %swap3A_68 : vector<1x3968xf32> to vector<3968xf32>
      %swap3A_70 = vector.shape_cast %get3A_65 : vector<3968xf32> to vector<1x3968xf32>
      tpu.vector_store %arg4[%swap3A_66, %swap3A_67], %swap3A_70 {strides = array<i32>} : memref<128x3968xf32, #tpu.memory_space<vmem>>, vector<1x3968xf32>,
      %get3A_71 = arith.constant 0 : index
      %get3A_72 = arith.constant 0 : index
      %get3A_73 = arith.constant 121 : index
      %get3A_74 = vector.load %arg2[%get3A_71, %get3A_72, %get3A_73] : memref<1x1x4096xf32, #tpu.memory_space<vmem>>, vector<1x1x3968xf32>
      %get3A_75 = vector.shape_cast %get3A_74 : vector<1x1x3968xf32> to vector<3968xf32>
      %swap3A_76 = arith.constant 6 : index
      %swap3A_77 = arith.constant 0 : index
      %swap3A_78 = vector.load %arg4[%swap3A_76, %swap3A_77] : memref<128x3968xf32, #tpu.memory_space<vmem>>, vector<1x3968xf32>
      %swap3A_79 = vector.shape_cast %swap3A_78 : vector<1x3968xf32> to vector<3968xf32>
      %swap3A_80 = vector.shape_cast %get3A_75 : vector<3968xf32> to vector<1x3968xf32>
      tpu.vector_store %arg4[%swap3A_76, %swap3A_77], %swap3A_80 {strides = array<i32>} : memref<128x3968xf32, #tpu.memory_space<vmem>>, vector<1x3968xf32>,
      %get3A_81 = arith.constant 0 : index
      %get3A_82 = arith.constant 0 : index
      %get3A_83 = arith.constant 120 : index
      %get3A_84 = vector.load %arg2[%get3A_81, %get3A_82, %get3A_83] : memref<1x1x4096xf32, #tpu.memory_space<vmem>>, vector<1x1x3968xf32>
      %get3A_85 = vector.shape_cast %get3A_84 : vector<1x1x3968xf32> to vector<3968xf32>
      %swap3A_86 = arith.constant 7 : index
      %swap3A_87 = arith.constant 0 : index
      %swap3A_88 = vector.load %arg4[%swap3A_86, %swap3A_87] : memref<128x3968xf32, #tpu.memory_space<vmem>>, vector<1x3968xf32>
      %swap3A_89 = vector.shape_cast %swap3A_88 : vector<1x3968xf32> to vector<3968xf32>
      %swap3A_90 = vector.shape_cast %get3A_85 : vector<3968xf32> to vector<1x3968xf32>
      tpu.vector_store %arg4[%swap3A_86, %swap3A_87], %swap3A_90 {strides = array<i32>} : memref<128x3968xf32, #tpu.memory_space<vmem>>, vector<1x3968xf32>,
      %get3A_91 = arith.constant 0 : index
      %get3A_92 = arith.constant 0 : index
      %get3A_93 = arith.constant 119 : index
      %get3A_94 = vector.load %arg2[%get3A_91, %get3A_92, %get3A_93] : memref<1x1x4096xf32, #tpu.memory_space<vmem>>, vector<1x1x3968xf32>
      %get3A_95 = vector.shape_cast %get3A_94 : vector<1x1x3968xf32> to vector<3968xf32>
      %swap3A_96 = arith.constant 8 : index
      %swap3A_97 = arith.constant 0 : index
      %swap3A_98 = vector.load %arg4[%swap3A_96, %swap3A_97] : memref<128x3968xf32, #tpu.memory_space<vmem>>, vector<1x3968xf32>
      %swap3A_99 = vector.shape_cast %swap3A_98 : vector<1x3968xf32> to vector<3968xf32>
      %swap3A_100 = vector.shape_cast %get3A_95 : vector<3968xf32> to vector<1x3968xf32>
      tpu.vector_store %arg4[%swap3A_96, %swap3A_97], %swap3A_100 {strides = array<i32>} : memref<128x3968xf32, #tpu.memory_space<vmem>>, vector<1x3968xf32>,
      %get3A_101 = arith.constant 0 : index
      %get3A_102 = arith.constant 0 : index
      %get3A_103 = arith.constant 118 : index
      %get3A_104 = vector.load %arg2[%get3A_101, %get3A_102, %get3A_103] : memref<1x1x4096xf32, #tpu.memory_space<vmem>>, vector<1x1x3968xf32>
      %get3A_105 = vector.shape_cast %get3A_104 : vector<1x1x3968xf32> to vector<3968xf32>
      %swap3A_106 = arith.constant 9 : index
      %swap3A_107 = arith.constant 0 : index
      %swap3A_108 = vector.load %arg4[%swap3A_106, %swap3A_107] : memref<128x3968xf32, #tpu.memory_space<vmem>>, vector<1x3968xf32>
      %swap3A_109 = vector.shape_cast %swap3A_108 : vector<1x3968xf32> to vector<3968xf32>
      %swap3A_110 = vector.shape_cast %get3A_105 : vector<3968xf32> to vector<1x3968xf32>
      tpu.vector_store %arg4[%swap3A_106, %swap3A_107], %swap3A_110 {strides = array<i32>} : memref<128x3968xf32, #tpu.memory_space<vmem>>, vector<1x3968xf32>,
      %get3A_111 = arith.constant 0 : index
      %get3A_112 = arith.constant 0 : index
      %get3A_113 = arith.constant 117 : index
      %get3A_114 = vector.load %arg2[%get3A_111, %get3A_112, %get3A_113] : memref<1x1x4096xf32, #tpu.memory_space<vmem>>, vector<1x1x3968xf32>
      %get3A_115 = vector.shape_cast %get3A_114 : vector<1x1x3968xf32> to vector<3968xf32>
      %swap3A_116 = arith.constant 10 : index
      %swap3A_117 = arith.constant 0 : index
      %swap3A_118 = vector.load %arg4[%swap3A_116, %swap3A_117] : memref<128x3968xf32, #tpu.memory_space<vmem>>, vector<1x3968xf32>
      %swap3A_119 = vector.shape_cast %swap3A_118 : vector<1x3968xf32> to vector<3968xf32>
      %swap3A_120 = vector.shape_cast %get3A_115 : vector<3968xf32> to vector<1x3968xf32>
      tpu.vector_store %arg4[%swap3A_116, %swap3A_117], %swap3A_120 {strides = array<i32>} : memref<128x3968xf32, #tpu.memory_space<vmem>>, vector<1x3968xf32>,
      %get3A_121 = arith.constant 0 : index
      %get3A_122 = arith.constant 0 : index
      %get3A_123 = arith.constant 116 : index
      %get3A_124 = vector.load %arg2[%get3A_121, %get3A_122, %get3A_123] : memref<1x1x4096xf32, #tpu.memory_space<vmem>>, vector<1x1x3968xf32>
      %get3A_125 = vector.shape_cast %get3A_124 : vector<1x1x3968xf32> to vector<3968xf32>
      %swap3A_126 = arith.constant 11 : index
      %swap3A_127 = arith.constant 0 : index
      %swap3A_128 = vector.load %arg4[%swap3A_126, %swap3A_127] : memref<128x3968xf32, #tpu.memory_space<vmem>>, vector<1x3968xf32>
      %swap3A_129 = vector.shape_cast %swap3A_128 : vector<1x3968xf32> to vector<3968xf32>
      %swap3A_130 = vector.shape_cast %get3A_125 : vector<3968xf32> to vector<1x3968xf32>
      tpu.vector_store %arg4[%swap3A_126, %swap3A_127], %swap3A_130 {strides = array<i32>} : memref<128x3968xf32, #tpu.memory_space<vmem>>, vector<1x3968xf32>,
      %get3A_131 = arith.constant 0 : index
      %get3A_132 = arith.constant 0 : index
      %get3A_133 = arith.constant 115 : index
      %get3A_134 = vector.load %arg2[%get3A_131, %get3A_132, %get3A_133] : memref<1x1x4096xf32, #tpu.memory_space<vmem>>, vector<1x1x3968xf32>
      %get3A_135 = vector.shape_cast %get3A_134 : vector<1x1x3968xf32> to vector<3968xf32>
      %swap3A_136 = arith.constant 12 : index
      %swap3A_137 = arith.constant 0 : index
      %swap3A_138 = vector.load %arg4[%swap3A_136, %swap3A_137] : memref<128x3968xf32, #tpu.memory_space<vmem>>, vector<1x3968xf32>
      %swap3A_139 = vector.shape_cast %swap3A_138 : vector<1x3968xf32> to vector<3968xf32>
      %swap3A_140 = vector.shape_cast %get3A_135 : vector<3968xf32> to vector<1x3968xf32>
      tpu.vector_store %arg4[%swap3A_136, %swap3A_137], %swap3A_140 {strides = array<i32>} : memref<128x3968xf32, #tpu.memory_space<vmem>>, vector<1x3968xf32>,
      %get3A_141 = arith.constant 0 : index
      %get3A_142 = arith.constant 0 : index
      %get3A_143 = arith.constant 114 : index
      %get3A_144 = vector.load %arg2[%get3A_141, %get3A_142, %get3A_143] : memref<1x1x4096xf32, #tpu.memory_space<vmem>>, vector<1x1x3968xf32>
      %get3A_145 = vector.shape_cast %get3A_144 : vector<1x1x3968xf32> to vector<3968xf32>
      %swap3A_146 = arith.constant 13 : index
      %swap3A_147 = arith.constant 0 : index
      %swap3A_148 = vector.load %arg4[%swap3A_146, %swap3A_147] : memref<128x3968xf32, #tpu.memory_space<vmem>>, vector<1x3968xf32>
      %swap3A_149 = vector.shape_cast %swap3A_148 : vector<1x3968xf32> to vector<3968xf32>
      %swap3A_150 = vector.shape_cast %get3A_145 : vector<3968xf32> to vector<1x3968xf32>
      tpu.vector_store %arg4[%swap3A_146, %swap3A_147], %swap3A_150 {strides = array<i32>} : memref<128x3968xf32, #tpu.memory_space<vmem>>, vector<1x3968xf32>,
      %get3A_151 = arith.constant 0 : index
      %get3A_152 = arith.constant 0 : index
      %get3A_153 = arith.constant 113 : index
      %get3A_154 = vector.load %arg2[%get3A_151, %get3A_152, %get3A_153] : memref<1x1x4096xf32, #tpu.memory_space<vmem>>, vector<1x1x3968xf32>
      %get3A_155 = vector.shape_cast %get3A_154 : vector<1x1x3968xf32> to vector<3968xf32>
      %swap3A_156 = arith.constant 14 : index
      %swap3A_157 = arith.constant 0 : index
      %swap3A_158 = vector.load %arg4[%swap3A_156, %swap3A_157] : memref<128x3968xf32, #tpu.memory_space<vmem>>, vector<1x3968xf32>
      %swap3A_159 = vector.shape_cast %swap3A_158 : vector<1x3968xf32> to vector<3968xf32>
      %swap3A_160 = vector.shape_cast %get3A_155 : vector<3968xf32> to vector<1x3968xf32>
      tpu.vector_store %arg4[%swap3A_156, %swap3A_157], %swap3A_160 {strides = array<i32>} : memref<128x3968xf32, #tpu.memory_space<vmem>>, vector<1x3968xf32>,
      %get3A_161 = arith.constant 0 : index
      %get3A_162 = arith.constant 0 : index
      %get3A_163 = arith.constant 112 : index
      %get3A_164 = vector.load %arg2[%get3A_161, %get3A_162, %get3A_163] : memref<1x1x4096xf32, #tpu.memory_space<vmem>>, vector<1x1x3968xf32>
      %get3A_165 = vector.shape_cast %get3A_164 : vector<1x1x3968xf32> to vector<3968xf32>
      %swap3A_166 = arith.constant 15 : index
      %swap3A_167 = arith.constant 0 : index
      %swap3A_168 = vector.load %arg4[%swap3A_166, %swap3A_167] : memref<128x3968xf32, #tpu.memory_space<vmem>>, vector<1x3968xf32>
      %swap3A_169 = vector.shape_cast %swap3A_168 : vector<1x3968xf32> to vector<3968xf32>
      %swap3A_170 = vector.shape_cast %get3A_165 : vector<3968xf32> to vector<1x3968xf32>
      tpu.vector_store %arg4[%swap3A_166, %swap3A_167], %swap3A_170 {strides = array<i32>} : memref<128x3968xf32, #tpu.memory_space<vmem>>, vector<1x3968xf32>,
      %get3A_171 = arith.constant 0 : index
      %get3A_172 = arith.constant 0 : index
      %get3A_173 = arith.constant 111 : index
      %get3A_174 = vector.load %arg2[%get3A_171, %get3A_172, %get3A_173] : memref<1x1x4096xf32, #tpu.memory_space<vmem>>, vector<1x1x3968xf32>
      %get3A_175 = vector.shape_cast %get3A_174 : vector<1x1x3968xf32> to vector<3968xf32>
      %swap3A_176 = arith.constant 16 : index
      %swap3A_177 = arith.constant 0 : index
      %swap3A_178 = vector.load %arg4[%swap3A_176, %swap3A_177] : memref<128x3968xf32, #tpu.memory_space<vmem>>, vector<1x3968xf32>
      %swap3A_179 = vector.shape_cast %swap3A_178 : vector<1x3968xf32> to vector<3968xf32>
      %swap3A_180 = vector.shape_cast %get3A_175 : vector<3968xf32> to vector<1x3968xf32>
      tpu.vector_store %arg4[%swap3A_176, %swap3A_177], %swap3A_180 {strides = array<i32>} : memref<128x3968xf32, #tpu.memory_space<vmem>>, vector<1x3968xf32>,
      %get3A_181 = arith.constant 0 : index
      %get3A_182 = arith.constant 0 : index
      %get3A_183 = arith.constant 110 : index
      %get3A_184 = vector.load %arg2[%get3A_181, %get3A_182, %get3A_183] : memref<1x1x4096xf32, #tpu.memory_space<vmem>>, vector<1x1x3968xf32>
      %get3A_185 = vector.shape_cast %get3A_184 : vector<1x1x3968xf32> to vector<3968xf32>
      %swap3A_186 = arith.constant 17 : index
      %swap3A_187 = arith.constant 0 : index
      %swap3A_188 = vector.load %arg4[%swap3A_186, %swap3A_187] : memref<128x3968xf32, #tpu.memory_space<vmem>>, vector<1x3968xf32>
      %swap3A_189 = vector.shape_cast %swap3A_188 : vector<1x3968xf32> to vector<3968xf32>
      %swap3A_190 = vector.shape_cast %get3A_185 : vector<3968xf32> to vector<1x3968xf32>
      tpu.vector_store %arg4[%swap3A_186, %swap3A_187], %swap3A_190 {strides = array<i32>} : memref<128x3968xf32, #tpu.memory_space<vmem>>, vector<1x3968xf32>,
      %get3A_191 = arith.constant 0 : index
      %get3A_192 = arith.constant 0 : index
      %get3A_193 = arith.constant 109 : index
      %get3A_194 = vector.load %arg2[%get3A_191, %get3A_192, %get3A_193] : memref<1x1x4096xf32, #tpu.memory_space<vmem>>, vector<1x1x3968xf32>
      %get3A_195 = vector.shape_cast %get3A_194 : vector<1x1x3968xf32> to vector<3968xf32>
      %swap3A_196 = arith.constant 18 : index
      %swap3A_197 = arith.constant 0 : index
      %swap3A_198 = vector.load %arg4[%swap3A_196, %swap3A_197] : memref<128x3968xf32, #tpu.memory_space<vmem>>, vector<1x3968xf32>
      %swap3A_199 = vector.shape_cast %swap3A_198 : vector<1x3968xf32> to vector<3968xf32>
      %swap3A_200 = vector.shape_cast %get3A_195 : vector<3968xf32> to vector<1x3968xf32>
      tpu.vector_store %arg4[%swap3A_196, %swap3A_197], %swap3A_200 {strides = array<i32>} : memref<128x3968xf32, #tpu.memory_space<vmem>>, vector<1x3968xf32>,
      %get3A_201 = arith.constant 0 : index
      %get3A_202 = arith.constant 0 : index
      %get3A_203 = arith.constant 108 : index
      %get3A_204 = vector.load %arg2[%get3A_201, %get3A_202, %get3A_203] : memref<1x1x4096xf32, #tpu.memory_space<vmem>>, vector<1x1x3968xf32>
      %get3A_205 = vector.shape_cast %get3A_204 : vector<1x1x3968xf32> to vector<3968xf32>
      %swap3A_206 = arith.constant 19 : index
      %swap3A_207 = arith.constant 0 : index
      %swap3A_208 = vector.load %arg4[%swap3A_206, %swap3A_207] : memref<128x3968xf32, #tpu.memory_space<vmem>>, vector<1x3968xf32>
      %swap3A_209 = vector.shape_cast %swap3A_208 : vector<1x3968xf32> to vector<3968xf32>
      %swap3A_210 = vector.shape_cast %get3A_205 : vector<3968xf32> to vector<1x3968xf32>
      tpu.vector_store %arg4[%swap3A_206, %swap3A_207], %swap3A_210 {strides = array<i32>} : memref<128x3968xf32, #tpu.memory_space<vmem>>, vector<1x3968xf32>,
      %get3A_211 = arith.constant 0 : index
      %get3A_212 = arith.constant 0 : index
      %get3A_213 = arith.constant 107 : index
      %get3A_214 = vector.load %arg2[%get3A_211, %get3A_212, %get3A_213] : memref<1x1x4096xf32, #tpu.memory_space<vmem>>, vector<1x1x3968xf32>
      %get3A_215 = vector.shape_cast %get3A_214 : vector<1x1x3968xf32> to vector<3968xf32>
      %swap3A_216 = arith.constant 20 : index
      %swap3A_217 = arith.constant 0 : index
      %swap3A_218 = vector.load %arg4[%swap3A_216, %swap3A_217] : memref<128x3968xf32, #tpu.memory_space<vmem>>, vector<1x3968xf32>
      %swap3A_219 = vector.shape_cast %swap3A_218 : vector<1x3968xf32> to vector<3968xf32>
      %swap3A_220 = vector.shape_cast %get3A_215 : vector<3968xf32> to vector<1x3968xf32>
      tpu.vector_store %arg4[%swap3A_216, %swap3A_217], %swap3A_220 {strides = array<i32>} : memref<128x3968xf32, #tpu.memory_space<vmem>>, vector<1x3968xf32>,
      %get3A_221 = arith.constant 0 : index
      %get3A_222 = arith.constant 0 : index
      %get3A_223 = arith.constant 106 : index
      %get3A_224 = vector.load %arg2[%get3A_221, %get3A_222, %get3A_223] : memref<1x1x4096xf32, #tpu.memory_space<vmem>>, vector<1x1x3968xf32>
      %get3A_225 = vector.shape_cast %get3A_224 : vector<1x1x3968xf32> to vector<3968xf32>
      %swap3A_226 = arith.constant 21 : index
      %swap3A_227 = arith.constant 0 : index
      %swap3A_228 = vector.load %arg4[%swap3A_226, %swap3A_227] : memref<128x3968xf32, #tpu.memory_space<vmem>>, vector<1x3968xf32>
      %swap3A_229 = vector.shape_cast %swap3A_228 : vector<1x3968xf32> to vector<3968xf32>
      %swap3A_230 = vector.shape_cast %get3A_225 : vector<3968xf32> to vector<1x3968xf32>
      tpu.vector_store %arg4[%swap3A_226, %swap3A_227], %swap3A_230 {strides = array<i32>} : memref<128x3968xf32, #tpu.memory_space<vmem>>, vector<1x3968xf32>,
      %get3A_231 = arith.constant 0 : index
      %get3A_232 = arith.constant 0 : index
      %get3A_233 = arith.constant 105 : index
      %get3A_234 = vector.load %arg2[%get3A_231, %get3A_232, %get3A_233] : memref<1x1x4096xf32, #tpu.memory_space<vmem>>, vector<1x1x3968xf32>
      %get3A_235 = vector.shape_cast %get3A_234 : vector<1x1x3968xf32> to vector<3968xf32>
      %swap3A_236 = arith.constant 22 : index
      %swap3A_237 = arith.constant 0 : index
      %swap3A_238 = vector.load %arg4[%swap3A_236, %swap3A_237] : memref<128x3968xf32, #tpu.memory_space<vmem>>, vector<1x3968xf32>
      %swap3A_239 = vector.shape_cast %swap3A_238 : vector<1x3968xf32> to vector<3968xf32>
      %swap3A_240 = vector.shape_cast %get3A_235 : vector<3968xf32> to vector<1x3968xf32>
      tpu.vector_store %arg4[%swap3A_236, %swap3A_237], %swap3A_240 {strides = array<i32>} : memref<128x3968xf32, #tpu.memory_space<vmem>>, vector<1x3968xf32>,
      %get3A_241 = arith.constant 0 : index
      %get3A_242 = arith.constant 0 : index
      %get3A_243 = arith.constant 104 : index
      %get3A_244 = vector.load %arg2[%get3A_241, %get3A_242, %get3A_243] : memref<1x1x4096xf32, #tpu.memory_space<vmem>>, vector<1x1x3968xf32>
      %get3A_245 = vector.shape_cast %get3A_244 : vector<1x1x3968xf32> to vector<3968xf32>
      %swap3A_246 = arith.constant 23 : index
      %swap3A_247 = arith.constant 0 : index
      %swap3A_248 = vector.load %arg4[%swap3A_246, %swap3A_247] : memref<128x3968xf32, #tpu.memory_space<vmem>>, vector<1x3968xf32>
      %swap3A_249 = vector.shape_cast %swap3A_248 : vector<1x3968xf32> to vector<3968xf32>
      %swap3A_250 = vector.shape_cast %get3A_245 : vector<3968xf32> to vector<1x3968xf32>
      tpu.vector_store %arg4[%swap3A_246, %swap3A_247], %swap3A_250 {strides = array<i32>} : memref<128x3968xf32, #tpu.memory_space<vmem>>, vector<1x3968xf32>,
      %get3A_251 = arith.constant 0 : index
      %get3A_252 = arith.constant 0 : index
      %get3A_253 = arith.constant 103 : index
      %get3A_254 = vector.load %arg2[%get3A_251, %get3A_252, %get3A_253] : memref<1x1x4096xf32, #tpu.memory_space<vmem>>, vector<1x1x3968xf32>
      %get3A_255 = vector.shape_cast %get3A_254 : vector<1x1x3968xf32> to vector<3968xf32>
      %swap3A_256 = arith.constant 24 : index
      %swap3A_257 = arith.constant 0 : index
      %swap3A_258 = vector.load %arg4[%swap3A_256, %swap3A_257] : memref<128x3968xf32, #tpu.memory_space<vmem>>, vector<1x3968xf32>
      %swap3A_259 = vector.shape_cast %swap3A_258 : vector<1x3968xf32> to vector<3968xf32>
      %swap3A_260 = vector.shape_cast %get3A_255 : vector<3968xf32> to vector<1x3968xf32>
      tpu.vector_store %arg4[%swap3A_256, %swap3A_257], %swap3A_260 {strides = array<i32>} : memref<128x3968xf32, #tpu.memory_space<vmem>>, vector<1x3968xf32>,
      %get3A_261 = arith.constant 0 : index
      %get3A_262 = arith.constant 0 : index
      %get3A_263 = arith.constant 102 : index
      %get3A_264 = vector.load %arg2[%get3A_261, %get3A_262, %get3A_263] : memref<1x1x4096xf32, #tpu.memory_space<vmem>>, vector<1x1x3968xf32>
      %get3A_265 = vector.shape_cast %get3A_264 : vector<1x1x3968xf32> to vector<3968xf32>
      %swap3A_266 = arith.constant 25 : index
      %swap3A_267 = arith.constant 0 : index
      %swap3A_268 = vector.load %arg4[%swap3A_266, %swap3A_267] : memref<128x3968xf32, #tpu.memory_space<vmem>>, vector<1x3968xf32>
      %swap3A_269 = vector.shape_cast %swap3A_268 : vector<1x3968xf32> to vector<3968xf32>
      %swap3A_270 = vector.shape_cast %get3A_265 : vector<3968xf32> to vector<1x3968xf32>
      tpu.vector_store %arg4[%swap3A_266, %swap3A_267], %swap3A_270 {strides = array<i32>} : memref<128x3968xf32, #tpu.memory_space<vmem>>, vector<1x3968xf32>,
      %get3A_271 = arith.constant 0 : index
      %get3A_272 = arith.constant 0 : index
      %get3A_273 = arith.constant 101 : index
      %get3A_274 = vector.load %arg2[%get3A_271, %get3A_272, %get3A_273] : memref<1x1x4096xf32, #tpu.memory_space<vmem>>, vector<1x1x3968xf32>
      %get3A_275 = vector.shape_cast %get3A_274 : vector<1x1x3968xf32> to vector<3968xf32>
      %swap3A_276 = arith.constant 26 : index
      %swap3A_277 = arith.constant 0 : index
      %swap3A_278 = vector.load %arg4[%swap3A_276, %swap3A_277] : memref<128x3968xf32, #tpu.memory_space<vmem>>, vector<1x3968xf32>
      %swap3A_279 = vector.shape_cast %swap3A_278 : vector<1x3968xf32> to vector<3968xf32>
      %swap3A_280 = vector.shape_cast %get3A_275 : vector<3968xf32> to vector<1x3968xf32>
      tpu.vector_store %arg4[%swap3A_276, %swap3A_277], %swap3A_280 {strides = array<i32>} : memref<128x3968xf32, #tpu.memory_space<vmem>>, vector<1x3968xf32>,
      %get3A_281 = arith.constant 0 : index
      %get3A_282 = arith.constant 0 : index
      %get3A_283 = arith.constant 100 : index
      %get3A_284 = vector.load %arg2[%get3A_281, %get3A_282, %get3A_283] : memref<1x1x4096xf32, #tpu.memory_space<vmem>>, vector<1x1x3968xf32>
      %get3A_285 = vector.shape_cast %get3A_284 : vector<1x1x3968xf32> to vector<3968xf32>
      %swap3A_286 = arith.constant 27 : index
      %swap3A_287 = arith.constant 0 : index
      %swap3A_288 = vector.load %arg4[%swap3A_286, %swap3A_287] : memref<128x3968xf32, #tpu.memory_space<vmem>>, vector<1x3968xf32>
      %swap3A_289 = vector.shape_cast %swap3A_288 : vector<1x3968xf32> to vector<3968xf32>
      %swap3A_290 = vector.shape_cast %get3A_285 : vector<3968xf32> to vector<1x3968xf32>
      tpu.vector_store %arg4[%swap3A_286, %swap3A_287], %swap3A_290 {strides = array<i32>} : memref<128x3968xf32, #tpu.memory_space<vmem>>, vector<1x3968xf32>,
      %get3A_291 = arith.constant 0 : index
      %get3A_292 = arith.constant 0 : index
      %get3A_293 = arith.constant 99 : index
      %get3A_294 = vector.load %arg2[%get3A_291, %get3A_292, %get3A_293] : memref<1x1x4096xf32, #tpu.memory_space<vmem>>, vector<1x1x3968xf32>
      %get3A_295 = vector.shape_cast %get3A_294 : vector<1x1x3968xf32> to vector<3968xf32>
      %swap3A_296 = arith.constant 28 : index
      %swap3A_297 = arith.constant 0 : index
      %swap3A_298 = vector.load %arg4[%swap3A_296, %swap3A_297] : memref<128x3968xf32, #tpu.memory_space<vmem>>, vector<1x3968xf32>
      %swap3A_299 = vector.shape_cast %swap3A_298 : vector<1x3968xf32> to vector<3968xf32>
      %swap3A_300 = vector.shape_cast %get3A_295 : vector<3968xf32> to vector<1x3968xf32>
      tpu.vector_store %arg4[%swap3A_296, %swap3A_297], %swap3A_300 {strides = array<i32>} : memref<128x3968xf32, #tpu.memory_space<vmem>>, vector<1x3968xf32>,
      %get3A_301 = arith.constant 0 : index
      %get3A_302 = arith.constant 0 : index
      %get3A_303 = arith.constant 98 : index
      %get3A_304 = vector.load %arg2[%get3A_301, %get3A_302, %get3A_303] : memref<1x1x4096xf32, #tpu.memory_space<vmem>>, vector<1x1x3968xf32>
      %get3A_305 = vector.shape_cast %get3A_304 : vector<1x1x3968xf32> to vector<3968xf32>
      %swap3A_306 = arith.constant 29 : index
      %swap3A_307 = arith.constant 0 : index
      %swap3A_308 = vector.load %arg4[%swap3A_306, %swap3A_307] : memref<128x3968xf32, #tpu.memory_space<vmem>>, vector<1x3968xf32>
      %swap3A_309 = vector.shape_cast %swap3A_308 : vector<1x3968xf32> to vector<3968xf32>
      %swap3A_310 = vector.shape_cast %get3A_305 : vector<3968xf32> to vector<1x3968xf32>
      tpu.vector_store %arg4[%swap3A_306, %swap3A_307], %swap3A_310 {strides = array<i32>} : memref<128x3968xf32, #tpu.memory_space<vmem>>, vector<1x3968xf32>,
      %get3A_311 = arith.constant 0 : index
      %get3A_312 = arith.constant 0 : index
      %get3A_313 = arith.constant 97 : index
      %get3A_314 = vector.load %arg2[%get3A_311, %get3A_312, %get3A_313] : memref<1x1x4096xf32, #tpu.memory_space<vmem>>, vector<1x1x3968xf32>
      %get3A_315 = vector.shape_cast %get3A_314 : vector<1x1x3968xf32> to vector<3968xf32>
      %swap3A_316 = arith.constant 30 : index
      %swap3A_317 = arith.constant 0 : index
      %swap3A_318 = vector.load %arg4[%swap3A_316, %swap3A_317] : memref<128x3968xf32, #tpu.memory_space<vmem>>, vector<1x3968xf32>
      %swap3A_319 = vector.shape_cast %swap3A_318 : vector<1x3968xf32> to vector<3968xf32>
      %swap3A_320 = vector.shape_cast %get3A_315 : vector<3968xf32> to vector<1x3968xf32>
      tpu.vector_store %arg4[%swap3A_316, %swap3A_317], %swap3A_320 {strides = array<i32>} : memref<128x3968xf32, #tpu.memory_space<vmem>>, vector<1x3968xf32>,
      %get3A_321 = arith.constant 0 : index
      %get3A_322 = arith.constant 0 : index
      %get3A_323 = arith.constant 96 : index
      %get3A_324 = vector.load %arg2[%get3A_321, %get3A_322, %get3A_323] : memref<1x1x4096xf32, #tpu.memory_space<vmem>>, vector<1x1x3968xf32>
      %get3A_325 = vector.shape_cast %get3A_324 : vector<1x1x3968xf32> to vector<3968xf32>
      %swap3A_326 = arith.constant 31 : index
      %swap3A_327 = arith.constant 0 : index
      %swap3A_328 = vector.load %arg4[%swap3A_326, %swap3A_327] : memref<128x3968xf32, #tpu.memory_space<vmem>>, vector<1x3968xf32>
      %swap3A_329 = vector.shape_cast %swap3A_328 : vector<1x3968xf32> to vector<3968xf32>
      %swap3A_330 = vector.shape_cast %get3A_325 : vector<3968xf32> to vector<1x3968xf32>
      tpu.vector_store %arg4[%swap3A_326, %swap3A_327], %swap3A_330 {strides = array<i32>} : memref<128x3968xf32, #tpu.memory_space<vmem>>, vector<1x3968xf32>,
      %get3A_331 = arith.constant 0 : index
      %get3A_332 = arith.constant 0 : index
      %get3A_333 = arith.constant 95 : index
      %get3A_334 = vector.load %arg2[%get3A_331, %get3A_332, %get3A_333] : memref<1x1x4096xf32, #tpu.memory_space<vmem>>, vector<1x1x3968xf32>
      %get3A_335 = vector.shape_cast %get3A_334 : vector<1x1x3968xf32> to vector<3968xf32>
      %swap3A_336 = arith.constant 32 : index
      %swap3A_337 = arith.constant 0 : index
      %swap3A_338 = vector.load %arg4[%swap3A_336, %swap3A_337] : memref<128x3968xf32, #tpu.memory_space<vmem>>, vector<1x3968xf32>
      %swap3A_339 = vector.shape_cast %swap3A_338 : vector<1x3968xf32> to vector<3968xf32>
      %swap3A_340 = vector.shape_cast %get3A_335 : vector<3968xf32> to vector<1x3968xf32>
      tpu.vector_store %arg4[%swap3A_336, %swap3A_337], %swap3A_340 {strides = array<i32>} : memref<128x3968xf32, #tpu.memory_space<vmem>>, vector<1x3968xf32>,
      %get3A_341 = arith.constant 0 : index
      %get3A_342 = arith.constant 0 : index
      %get3A_343 = arith.constant 94 : index
      %get3A_344 = vector.load %arg2[%get3A_341, %get3A_342, %get3A_343] : memref<1x1x4096xf32, #tpu.memory_space<vmem>>, vector<1x1x3968xf32>
      %get3A_345 = vector.shape_cast %get3A_344 : vector<1x1x3968xf32> to vector<3968xf32>
      %swap3A_346 = arith.constant 33 : index
      %swap3A_347 = arith.constant 0 : index
      %swap3A_348 = vector.load %arg4[%swap3A_346, %swap3A_347] : memref<128x3968xf32, #tpu.memory_space<vmem>>, vector<1x3968xf32>
      %swap3A_349 = vector.shape_cast %swap3A_348 : vector<1x3968xf32> to vector<3968xf32>
      %swap3A_350 = vector.shape_cast %get3A_345 : vector<3968xf32> to vector<1x3968xf32>
      tpu.vector_store %arg4[%swap3A_346, %swap3A_347], %swap3A_350 {strides = array<i32>} : memref<128x3968xf32, #tpu.memory_space<vmem>>, vector<1x3968xf32>,
      %get3A_351 = arith.constant 0 : index
      %get3A_352 = arith.constant 0 : index
      %get3A_353 = arith.constant 93 : index
      %get3A_354 = vector.load %arg2[%get3A_351, %get3A_352, %get3A_353] : memref<1x1x4096xf32, #tpu.memory_space<vmem>>, vector<1x1x3968xf32>
      %get3A_355 = vector.shape_cast %get3A_354 : vector<1x1x3968xf32> to vector<3968xf32>
      %swap3A_356 = arith.constant 34 : index
      %swap3A_357 = arith.constant 0 : index
      %swap3A_358 = vector.load %arg4[%swap3A_356, %swap3A_357] : memref<128x3968xf32, #tpu.memory_space<vmem>>, vector<1x3968xf32>
      %swap3A_359 = vector.shape_cast %swap3A_358 : vector<1x3968xf32> to vector<3968xf32>
      %swap3A_360 = vector.shape_cast %get3A_355 : vector<3968xf32> to vector<1x3968xf32>
      tpu.vector_store %arg4[%swap3A_356, %swap3A_357], %swap3A_360 {strides = array<i32>} : memref<128x3968xf32, #tpu.memory_space<vmem>>, vector<1x3968xf32>,
      %get3A_361 = arith.constant 0 : index
      %get3A_362 = arith.constant 0 : index
      %get3A_363 = arith.constant 92 : index
      %get3A_364 = vector.load %arg2[%get3A_361, %get3A_362, %get3A_363] : memref<1x1x4096xf32, #tpu.memory_space<vmem>>, vector<1x1x3968xf32>
      %get3A_365 = vector.shape_cast %get3A_364 : vector<1x1x3968xf32> to vector<3968xf32>
      %swap3A_366 = arith.constant 35 : index
      %swap3A_367 = arith.constant 0 : index
      %swap3A_368 = vector.load %arg4[%swap3A_366, %swap3A_367] : memref<128x3968xf32, #tpu.memory_space<vmem>>, vector<1x3968xf32>
      %swap3A_369 = vector.shape_cast %swap3A_368 : vector<1x3968xf32> to vector<3968xf32>
      %swap3A_370 = vector.shape_cast %get3A_365 : vector<3968xf32> to vector<1x3968xf32>
      tpu.vector_store %arg4[%swap3A_366, %swap3A_367], %swap3A_370 {strides = array<i32>} : memref<128x3968xf32, #tpu.memory_space<vmem>>, vector<1x3968xf32>,
      %get3A_371 = arith.constant 0 : index
      %get3A_372 = arith.constant 0 : index
      %get3A_373 = arith.constant 91 : index
      %get3A_374 = vector.load %arg2[%get3A_371, %get3A_372, %get3A_373] : memref<1x1x4096xf32, #tpu.memory_space<vmem>>, vector<1x1x3968xf32>
      %get3A_375 = vector.shape_cast %get3A_374 : vector<1x1x3968xf32> to vector<3968xf32>
      %swap3A_376 = arith.constant 36 : index
      %swap3A_377 = arith.constant 0 : index
      %swap3A_378 = vector.load %arg4[%swap3A_376, %swap3A_377] : memref<128x3968xf32, #tpu.memory_space<vmem>>, vector<1x3968xf32>
      %swap3A_379 = vector.shape_cast %swap3A_378 : vector<1x3968xf32> to vector<3968xf32>
      %swap3A_380 = vector.shape_cast %get3A_375 : vector<3968xf32> to vector<1x3968xf32>
      tpu.vector_store %arg4[%swap3A_376, %swap3A_377], %swap3A_380 {strides = array<i32>} : memref<128x3968xf32, #tpu.memory_space<vmem>>, vector<1x3968xf32>,
      %get3A_381 = arith.constant 0 : index
      %get3A_382 = arith.constant 0 : index
      %get3A_383 = arith.constant 90 : index
      %get3A_384 = vector.load %arg2[%get3A_381, %get3A_382, %get3A_383] : memref<1x1x4096xf32, #tpu.memory_space<vmem>>, vector<1x1x3968xf32>
      %get3A_385 = vector.shape_cast %get3A_384 : vector<1x1x3968xf32> to vector<3968xf32>
      %swap3A_386 = arith.constant 37 : index
      %swap3A_387 = arith.constant 0 : index
      %swap3A_388 = vector.load %arg4[%swap3A_386, %swap3A_387] : memref<128x3968xf32, #tpu.memory_space<vmem>>, vector<1x3968xf32>
      %swap3A_389 = vector.shape_cast %swap3A_388 : vector<1x3968xf32> to vector<3968xf32>
      %swap3A_390 = vector.shape_cast %get3A_385 : vector<3968xf32> to vector<1x3968xf32>
      tpu.vector_store %arg4[%swap3A_386, %swap3A_387], %swap3A_390 {strides = array<i32>} : memref<128x3968xf32, #tpu.memory_space<vmem>>, vector<1x3968xf32>,
      %get3A_391 = arith.constant 0 : index
      %get3A_392 = arith.constant 0 : index
      %get3A_393 = arith.constant 89 : index
      %get3A_394 = vector.load %arg2[%get3A_391, %get3A_392, %get3A_393] : memref<1x1x4096xf32, #tpu.memory_space<vmem>>, vector<1x1x3968xf32>
      %get3A_395 = vector.shape_cast %get3A_394 : vector<1x1x3968xf32> to vector<3968xf32>
      %swap3A_396 = arith.constant 38 : index
      %swap3A_397 = arith.constant 0 : index
      %swap3A_398 = vector.load %arg4[%swap3A_396, %swap3A_397] : memref<128x3968xf32, #tpu.memory_space<vmem>>, vector<1x3968xf32>
      %swap3A_399 = vector.shape_cast %swap3A_398 : vector<1x3968xf32> to vector<3968xf32>
      %swap3A_400 = vector.shape_cast %get3A_395 : vector<3968xf32> to vector<1x3968xf32>
      tpu.vector_store %arg4[%swap3A_396, %swap3A_397], %swap3A_400 {strides = array<i32>} : memref<128x3968xf32, #tpu.memory_space<vmem>>, vector<1x3968xf32>,
      %get3A_401 = arith.constant 0 : index
      %get3A_402 = arith.constant 0 : index
      %get3A_403 = arith.constant 88 : index
      %get3A_404 = vector.load %arg2[%get3A_401, %get3A_402, %get3A_403] : memref<1x1x4096xf32, #tpu.memory_space<vmem>>, vector<1x1x3968xf32>
      %get3A_405 = vector.shape_cast %get3A_404 : vector<1x1x3968xf32> to vector<3968xf32>
      %swap3A_406 = arith.constant 39 : index
      %swap3A_407 = arith.constant 0 : index
      %swap3A_408 = vector.load %arg4[%swap3A_406, %swap3A_407] : memref<128x3968xf32, #tpu.memory_space<vmem>>, vector<1x3968xf32>
      %swap3A_409 = vector.shape_cast %swap3A_408 : vector<1x3968xf32> to vector<3968xf32>
      %swap3A_410 = vector.shape_cast %get3A_405 : vector<3968xf32> to vector<1x3968xf32>
      tpu.vector_store %arg4[%swap3A_406, %swap3A_407], %swap3A_410 {strides = array<i32>} : memref<128x3968xf32, #tpu.memory_space<vmem>>, vector<1x3968xf32>,
      %get3A_411 = arith.constant 0 : index
      %get3A_412 = arith.constant 0 : index
      %get3A_413 = arith.constant 87 : index
      %get3A_414 = vector.load %arg2[%get3A_411, %get3A_412, %get3A_413] : memref<1x1x4096xf32, #tpu.memory_space<vmem>>, vector<1x1x3968xf32>
      %get3A_415 = vector.shape_cast %get3A_414 : vector<1x1x3968xf32> to vector<3968xf32>
      %swap3A_416 = arith.constant 40 : index
      %swap3A_417 = arith.constant 0 : index
      %swap3A_418 = vector.load %arg4[%swap3A_416, %swap3A_417] : memref<128x3968xf32, #tpu.memory_space<vmem>>, vector<1x3968xf32>
      %swap3A_419 = vector.shape_cast %swap3A_418 : vector<1x3968xf32> to vector<3968xf32>
      %swap3A_420 = vector.shape_cast %get3A_415 : vector<3968xf32> to vector<1x3968xf32>
      tpu.vector_store %arg4[%swap3A_416, %swap3A_417], %swap3A_420 {strides = array<i32>} : memref<128x3968xf32, #tpu.memory_space<vmem>>, vector<1x3968xf32>,
      %get3A_421 = arith.constant 0 : index
      %get3A_422 = arith.constant 0 : index
      %get3A_423 = arith.constant 86 : index
      %get3A_424 = vector.load %arg2[%get3A_421, %get3A_422, %get3A_423] : memref<1x1x4096xf32, #tpu.memory_space<vmem>>, vector<1x1x3968xf32>
      %get3A_425 = vector.shape_cast %get3A_424 : vector<1x1x3968xf32> to vector<3968xf32>
      %swap3A_426 = arith.constant 41 : index
      %swap3A_427 = arith.constant 0 : index
      %swap3A_428 = vector.load %arg4[%swap3A_426, %swap3A_427] : memref<128x3968xf32, #tpu.memory_space<vmem>>, vector<1x3968xf32>
      %swap3A_429 = vector.shape_cast %swap3A_428 : vector<1x3968xf32> to vector<3968xf32>
      %swap3A_430 = vector.shape_cast %get3A_425 : vector<3968xf32> to vector<1x3968xf32>
      tpu.vector_store %arg4[%swap3A_426, %swap3A_427], %swap3A_430 {strides = array<i32>} : memref<128x3968xf32, #tpu.memory_space<vmem>>, vector<1x3968xf32>,
      %get3A_431 = arith.constant 0 : index
      %get3A_432 = arith.constant 0 : index
      %get3A_433 = arith.constant 85 : index
      %get3A_434 = vector.load %arg2[%get3A_431, %get3A_432, %get3A_433] : memref<1x1x4096xf32, #tpu.memory_space<vmem>>, vector<1x1x3968xf32>
      %get3A_435 = vector.shape_cast %get3A_434 : vector<1x1x3968xf32> to vector<3968xf32>
      %swap3A_436 = arith.constant 42 : index
      %swap3A_437 = arith.constant 0 : index
      %swap3A_438 = vector.load %arg4[%swap3A_436, %swap3A_437] : memref<128x3968xf32, #tpu.memory_space<vmem>>, vector<1x3968xf32>
      %swap3A_439 = vector.shape_cast %swap3A_438 : vector<1x3968xf32> to vector<3968xf32>
      %swap3A_440 = vector.shape_cast %get3A_435 : vector<3968xf32> to vector<1x3968xf32>
      tpu.vector_store %arg4[%swap3A_436, %swap3A_437], %swap3A_440 {strides = array<i32>} : memref<128x3968xf32, #tpu.memory_space<vmem>>, vector<1x3968xf32>,
      %get3A_441 = arith.constant 0 : index
      %get3A_442 = arith.constant 0 : index
      %get3A_443 = arith.constant 84 : index
      %get3A_444 = vector.load %arg2[%get3A_441, %get3A_442, %get3A_443] : memref<1x1x4096xf32, #tpu.memory_space<vmem>>, vector<1x1x3968xf32>
      %get3A_445 = vector.shape_cast %get3A_444 : vector<1x1x3968xf32> to vector<3968xf32>
      %swap3A_446 = arith.constant 43 : index
      %swap3A_447 = arith.constant 0 : index
      %swap3A_448 = vector.load %arg4[%swap3A_446, %swap3A_447] : memref<128x3968xf32, #tpu.memory_space<vmem>>, vector<1x3968xf32>
      %swap3A_449 = vector.shape_cast %swap3A_448 : vector<1x3968xf32> to vector<3968xf32>
      %swap3A_450 = vector.shape_cast %get3A_445 : vector<3968xf32> to vector<1x3968xf32>
      tpu.vector_store %arg4[%swap3A_446, %swap3A_447], %swap3A_450 {strides = array<i32>} : memref<128x3968xf32, #tpu.memory_space<vmem>>, vector<1x3968xf32>,
      %get3A_451 = arith.constant 0 : index
      %get3A_452 = arith.constant 0 : index
      %get3A_453 = arith.constant 83 : index
      %get3A_454 = vector.load %arg2[%get3A_451, %get3A_452, %get3A_453] : memref<1x1x4096xf32, #tpu.memory_space<vmem>>, vector<1x1x3968xf32>
      %get3A_455 = vector.shape_cast %get3A_454 : vector<1x1x3968xf32> to vector<3968xf32>
      %swap3A_456 = arith.constant 44 : index
      %swap3A_457 = arith.constant 0 : index
      %swap3A_458 = vector.load %arg4[%swap3A_456, %swap3A_457] : memref<128x3968xf32, #tpu.memory_space<vmem>>, vector<1x3968xf32>
      %swap3A_459 = vector.shape_cast %swap3A_458 : vector<1x3968xf32> to vector<3968xf32>
      %swap3A_460 = vector.shape_cast %get3A_455 : vector<3968xf32> to vector<1x3968xf32>
      tpu.vector_store %arg4[%swap3A_456, %swap3A_457], %swap3A_460 {strides = array<i32>} : memref<128x3968xf32, #tpu.memory_space<vmem>>, vector<1x3968xf32>,
      %get3A_461 = arith.constant 0 : index
      %get3A_462 = arith.constant 0 : index
      %get3A_463 = arith.constant 82 : index
      %get3A_464 = vector.load %arg2[%get3A_461, %get3A_462, %get3A_463] : memref<1x1x4096xf32, #tpu.memory_space<vmem>>, vector<1x1x3968xf32>
      %get3A_465 = vector.shape_cast %get3A_464 : vector<1x1x3968xf32> to vector<3968xf32>
      %swap3A_466 = arith.constant 45 : index
      %swap3A_467 = arith.constant 0 : index
      %swap3A_468 = vector.load %arg4[%swap3A_466, %swap3A_467] : memref<128x3968xf32, #tpu.memory_space<vmem>>, vector<1x3968xf32>
      %swap3A_469 = vector.shape_cast %swap3A_468 : vector<1x3968xf32> to vector<3968xf32>
      %swap3A_470 = vector.shape_cast %get3A_465 : vector<3968xf32> to vector<1x3968xf32>
      tpu.vector_store %arg4[%swap3A_466, %swap3A_467], %swap3A_470 {strides = array<i32>} : memref<128x3968xf32, #tpu.memory_space<vmem>>, vector<1x3968xf32>,
      %get3A_471 = arith.constant 0 : index
      %get3A_472 = arith.constant 0 : index
      %get3A_473 = arith.constant 81 : index
      %get3A_474 = vector.load %arg2[%get3A_471, %get3A_472, %get3A_473] : memref<1x1x4096xf32, #tpu.memory_space<vmem>>, vector<1x1x3968xf32>
      %get3A_475 = vector.shape_cast %get3A_474 : vector<1x1x3968xf32> to vector<3968xf32>
      %swap3A_476 = arith.constant 46 : index
      %swap3A_477 = arith.constant 0 : index
      %swap3A_478 = vector.load %arg4[%swap3A_476, %swap3A_477] : memref<128x3968xf32, #tpu.memory_space<vmem>>, vector<1x3968xf32>
      %swap3A_479 = vector.shape_cast %swap3A_478 : vector<1x3968xf32> to vector<3968xf32>
      %swap3A_480 = vector.shape_cast %get3A_475 : vector<3968xf32> to vector<1x3968xf32>
      tpu.vector_store %arg4[%swap3A_476, %swap3A_477], %swap3A_480 {strides = array<i32>} : memref<128x3968xf32, #tpu.memory_space<vmem>>, vector<1x3968xf32>,
      %get3A_481 = arith.constant 0 : index
      %get3A_482 = arith.constant 0 : index
      %get3A_483 = arith.constant 80 : index
      %get3A_484 = vector.load %arg2[%get3A_481, %get3A_482, %get3A_483] : memref<1x1x4096xf32, #tpu.memory_space<vmem>>, vector<1x1x3968xf32>
      %get3A_485 = vector.shape_cast %get3A_484 : vector<1x1x3968xf32> to vector<3968xf32>
      %swap3A_486 = arith.constant 47 : index
      %swap3A_487 = arith.constant 0 : index
      %swap3A_488 = vector.load %arg4[%swap3A_486, %swap3A_487] : memref<128x3968xf32, #tpu.memory_space<vmem>>, vector<1x3968xf32>
      %swap3A_489 = vector.shape_cast %swap3A_488 : vector<1x3968xf32> to vector<3968xf32>
      %swap3A_490 = vector.shape_cast %get3A_485 : vector<3968xf32> to vector<1x3968xf32>
      tpu.vector_store %arg4[%swap3A_486, %swap3A_487], %swap3A_490 {strides = array<i32>} : memref<128x3968xf32, #tpu.memory_space<vmem>>, vector<1x3968xf32>,
      %get3A_491 = arith.constant 0 : index
      %get3A_492 = arith.constant 0 : index
      %get3A_493 = arith.constant 79 : index
      %get3A_494 = vector.load %arg2[%get3A_491, %get3A_492, %get3A_493] : memref<1x1x4096xf32, #tpu.memory_space<vmem>>, vector<1x1x3968xf32>
      %get3A_495 = vector.shape_cast %get3A_494 : vector<1x1x3968xf32> to vector<3968xf32>
      %swap3A_496 = arith.constant 48 : index
      %swap3A_497 = arith.constant 0 : index
      %swap3A_498 = vector.load %arg4[%swap3A_496, %swap3A_497] : memref<128x3968xf32, #tpu.memory_space<vmem>>, vector<1x3968xf32>
      %swap3A_499 = vector.shape_cast %swap3A_498 : vector<1x3968xf32> to vector<3968xf32>
      %swap3A_500 = vector.shape_cast %get3A_495 : vector<3968xf32> to vector<1x3968xf32>
      tpu.vector_store %arg4[%swap3A_496, %swap3A_497], %swap3A_500 {strides = array<i32>} : memref<128x3968xf32, #tpu.memory_space<vmem>>, vector<1x3968xf32>,
      %get3A_501 = arith.constant 0 : index
      %get3A_502 = arith.constant 0 : index
      %get3A_503 = arith.constant 78 : index
      %get3A_504 = vector.load %arg2[%get3A_501, %get3A_502, %get3A_503] : memref<1x1x4096xf32, #tpu.memory_space<vmem>>, vector<1x1x3968xf32>
      %get3A_505 = vector.shape_cast %get3A_504 : vector<1x1x3968xf32> to vector<3968xf32>
      %swap3A_506 = arith.constant 49 : index
      %swap3A_507 = arith.constant 0 : index
      %swap3A_508 = vector.load %arg4[%swap3A_506, %swap3A_507] : memref<128x3968xf32, #tpu.memory_space<vmem>>, vector<1x3968xf32>
      %swap3A_509 = vector.shape_cast %swap3A_508 : vector<1x3968xf32> to vector<3968xf32>
      %swap3A_510 = vector.shape_cast %get3A_505 : vector<3968xf32> to vector<1x3968xf32>
      tpu.vector_store %arg4[%swap3A_506, %swap3A_507], %swap3A_510 {strides = array<i32>} : memref<128x3968xf32, #tpu.memory_space<vmem>>, vector<1x3968xf32>,
      %get3A_511 = arith.constant 0 : index
      %get3A_512 = arith.constant 0 : index
      %get3A_513 = arith.constant 77 : index
      %get3A_514 = vector.load %arg2[%get3A_511, %get3A_512, %get3A_513] : memref<1x1x4096xf32, #tpu.memory_space<vmem>>, vector<1x1x3968xf32>
      %get3A_515 = vector.shape_cast %get3A_514 : vector<1x1x3968xf32> to vector<3968xf32>
      %swap3A_516 = arith.constant 50 : index
      %swap3A_517 = arith.constant 0 : index
      %swap3A_518 = vector.load %arg4[%swap3A_516, %swap3A_517] : memref<128x3968xf32, #tpu.memory_space<vmem>>, vector<1x3968xf32>
      %swap3A_519 = vector.shape_cast %swap3A_518 : vector<1x3968xf32> to vector<3968xf32>
      %swap3A_520 = vector.shape_cast %get3A_515 : vector<3968xf32> to vector<1x3968xf32>
      tpu.vector_store %arg4[%swap3A_516, %swap3A_517], %swap3A_520 {strides = array<i32>} : memref<128x3968xf32, #tpu.memory_space<vmem>>, vector<1x3968xf32>,
      %get3A_521 = arith.constant 0 : index
      %get3A_522 = arith.constant 0 : index
      %get3A_523 = arith.constant 76 : index
      %get3A_524 = vector.load %arg2[%get3A_521, %get3A_522, %get3A_523] : memref<1x1x4096xf32, #tpu.memory_space<vmem>>, vector<1x1x3968xf32>
      %get3A_525 = vector.shape_cast %get3A_524 : vector<1x1x3968xf32> to vector<3968xf32>
      %swap3A_526 = arith.constant 51 : index
      %swap3A_527 = arith.constant 0 : index
      %swap3A_528 = vector.load %arg4[%swap3A_526, %swap3A_527] : memref<128x3968xf32, #tpu.memory_space<vmem>>, vector<1x3968xf32>
      %swap3A_529 = vector.shape_cast %swap3A_528 : vector<1x3968xf32> to vector<3968xf32>
      %swap3A_530 = vector.shape_cast %get3A_525 : vector<3968xf32> to vector<1x3968xf32>
      tpu.vector_store %arg4[%swap3A_526, %swap3A_527], %swap3A_530 {strides = array<i32>} : memref<128x3968xf32, #tpu.memory_space<vmem>>, vector<1x3968xf32>,
      %get3A_531 = arith.constant 0 : index
      %get3A_532 = arith.constant 0 : index
      %get3A_533 = arith.constant 75 : index
      %get3A_534 = vector.load %arg2[%get3A_531, %get3A_532, %get3A_533] : memref<1x1x4096xf32, #tpu.memory_space<vmem>>, vector<1x1x3968xf32>
      %get3A_535 = vector.shape_cast %get3A_534 : vector<1x1x3968xf32> to vector<3968xf32>
      %swap3A_536 = arith.constant 52 : index
      %swap3A_537 = arith.constant 0 : index
      %swap3A_538 = vector.load %arg4[%swap3A_536, %swap3A_537] : memref<128x3968xf32, #tpu.memory_space<vmem>>, vector<1x3968xf32>
      %swap3A_539 = vector.shape_cast %swap3A_538 : vector<1x3968xf32> to vector<3968xf32>
      %swap3A_540 = vector.shape_cast %get3A_535 : vector<3968xf32> to vector<1x3968xf32>
      tpu.vector_store %arg4[%swap3A_536, %swap3A_537], %swap3A_540 {strides = array<i32>} : memref<128x3968xf32, #tpu.memory_space<vmem>>, vector<1x3968xf32>,
      %get3A_541 = arith.constant 0 : index
      %get3A_542 = arith.constant 0 : index
      %get3A_543 = arith.constant 74 : index
      %get3A_544 = vector.load %arg2[%get3A_541, %get3A_542, %get3A_543] : memref<1x1x4096xf32, #tpu.memory_space<vmem>>, vector<1x1x3968xf32>
      %get3A_545 = vector.shape_cast %get3A_544 : vector<1x1x3968xf32> to vector<3968xf32>
      %swap3A_546 = arith.constant 53 : index
      %swap3A_547 = arith.constant 0 : index
      %swap3A_548 = vector.load %arg4[%swap3A_546, %swap3A_547] : memref<128x3968xf32, #tpu.memory_space<vmem>>, vector<1x3968xf32>
      %swap3A_549 = vector.shape_cast %swap3A_548 : vector<1x3968xf32> to vector<3968xf32>
      %swap3A_550 = vector.shape_cast %get3A_545 : vector<3968xf32> to vector<1x3968xf32>
      tpu.vector_store %arg4[%swap3A_546, %swap3A_547], %swap3A_550 {strides = array<i32>} : memref<128x3968xf32, #tpu.memory_space<vmem>>, vector<1x3968xf32>,
      %get3A_551 = arith.constant 0 : index
      %get3A_552 = arith.constant 0 : index
      %get3A_553 = arith.constant 73 : index
      %get3A_554 = vector.load %arg2[%get3A_551, %get3A_552, %get3A_553] : memref<1x1x4096xf32, #tpu.memory_space<vmem>>, vector<1x1x3968xf32>
      %get3A_555 = vector.shape_cast %get3A_554 : vector<1x1x3968xf32> to vector<3968xf32>
      %swap3A_556 = arith.constant 54 : index
      %swap3A_557 = arith.constant 0 : index
      %swap3A_558 = vector.load %arg4[%swap3A_556, %swap3A_557] : memref<128x3968xf32, #tpu.memory_space<vmem>>, vector<1x3968xf32>
      %swap3A_559 = vector.shape_cast %swap3A_558 : vector<1x3968xf32> to vector<3968xf32>
      %swap3A_560 = vector.shape_cast %get3A_555 : vector<3968xf32> to vector<1x3968xf32>
      tpu.vector_store %arg4[%swap3A_556, %swap3A_557], %swap3A_560 {strides = array<i32>} : memref<128x3968xf32, #tpu.memory_space<vmem>>, vector<1x3968xf32>,
      %get3A_561 = arith.constant 0 : index
      %get3A_562 = arith.constant 0 : index
      %get3A_563 = arith.constant 72 : index
      %get3A_564 = vector.load %arg2[%get3A_561, %get3A_562, %get3A_563] : memref<1x1x4096xf32, #tpu.memory_space<vmem>>, vector<1x1x3968xf32>
      %get3A_565 = vector.shape_cast %get3A_564 : vector<1x1x3968xf32> to vector<3968xf32>
      %swap3A_566 = arith.constant 55 : index
      %swap3A_567 = arith.constant 0 : index
      %swap3A_568 = vector.load %arg4[%swap3A_566, %swap3A_567] : memref<128x3968xf32, #tpu.memory_space<vmem>>, vector<1x3968xf32>
      %swap3A_569 = vector.shape_cast %swap3A_568 : vector<1x3968xf32> to vector<3968xf32>
      %swap3A_570 = vector.shape_cast %get3A_565 : vector<3968xf32> to vector<1x3968xf32>
      tpu.vector_store %arg4[%swap3A_566, %swap3A_567], %swap3A_570 {strides = array<i32>} : memref<128x3968xf32, #tpu.memory_space<vmem>>, vector<1x3968xf32>,
      %get3A_571 = arith.constant 0 : index
      %get3A_572 = arith.constant 0 : index
      %get3A_573 = arith.constant 71 : index
      %get3A_574 = vector.load %arg2[%get3A_571, %get3A_572, %get3A_573] : memref<1x1x4096xf32, #tpu.memory_space<vmem>>, vector<1x1x3968xf32>
      %get3A_575 = vector.shape_cast %get3A_574 : vector<1x1x3968xf32> to vector<3968xf32>
      %swap3A_576 = arith.constant 56 : index
      %swap3A_577 = arith.constant 0 : index
      %swap3A_578 = vector.load %arg4[%swap3A_576, %swap3A_577] : memref<128x3968xf32, #tpu.memory_space<vmem>>, vector<1x3968xf32>
      %swap3A_579 = vector.shape_cast %swap3A_578 : vector<1x3968xf32> to vector<3968xf32>
      %swap3A_580 = vector.shape_cast %get3A_575 : vector<3968xf32> to vector<1x3968xf32>
      tpu.vector_store %arg4[%swap3A_576, %swap3A_577], %swap3A_580 {strides = array<i32>} : memref<128x3968xf32, #tpu.memory_space<vmem>>, vector<1x3968xf32>,
      %get3A_581 = arith.constant 0 : index
      %get3A_582 = arith.constant 0 : index
      %get3A_583 = arith.constant 70 : index
      %get3A_584 = vector.load %arg2[%get3A_581, %get3A_582, %get3A_583] : memref<1x1x4096xf32, #tpu.memory_space<vmem>>, vector<1x1x3968xf32>
      %get3A_585 = vector.shape_cast %get3A_584 : vector<1x1x3968xf32> to vector<3968xf32>
      %swap3A_586 = arith.constant 57 : index
      %swap3A_587 = arith.constant 0 : index
      %swap3A_588 = vector.load %arg4[%swap3A_586, %swap3A_587] : memref<128x3968xf32, #tpu.memory_space<vmem>>, vector<1x3968xf32>
      %swap3A_589 = vector.shape_cast %swap3A_588 : vector<1x3968xf32> to vector<3968xf32>
      %swap3A_590 = vector.shape_cast %get3A_585 : vector<3968xf32> to vector<1x3968xf32>
      tpu.vector_store %arg4[%swap3A_586, %swap3A_587], %swap3A_590 {strides = array<i32>} : memref<128x3968xf32, #tpu.memory_space<vmem>>, vector<1x3968xf32>,
      %get3A_591 = arith.constant 0 : index
      %get3A_592 = arith.constant 0 : index
      %get3A_593 = arith.constant 69 : index
      %get3A_594 = vector.load %arg2[%get3A_591, %get3A_592, %get3A_593] : memref<1x1x4096xf32, #tpu.memory_space<vmem>>, vector<1x1x3968xf32>
      %get3A_595 = vector.shape_cast %get3A_594 : vector<1x1x3968xf32> to vector<3968xf32>
      %swap3A_596 = arith.constant 58 : index
      %swap3A_597 = arith.constant 0 : index
      %swap3A_598 = vector.load %arg4[%swap3A_596, %swap3A_597] : memref<128x3968xf32, #tpu.memory_space<vmem>>, vector<1x3968xf32>
      %swap3A_599 = vector.shape_cast %swap3A_598 : vector<1x3968xf32> to vector<3968xf32>
      %swap3A_600 = vector.shape_cast %get3A_595 : vector<3968xf32> to vector<1x3968xf32>
      tpu.vector_store %arg4[%swap3A_596, %swap3A_597], %swap3A_600 {strides = array<i32>} : memref<128x3968xf32, #tpu.memory_space<vmem>>, vector<1x3968xf32>,
      %get3A_601 = arith.constant 0 : index
      %get3A_602 = arith.constant 0 : index
      %get3A_603 = arith.constant 68 : index
      %get3A_604 = vector.load %arg2[%get3A_601, %get3A_602, %get3A_603] : memref<1x1x4096xf32, #tpu.memory_space<vmem>>, vector<1x1x3968xf32>
      %get3A_605 = vector.shape_cast %get3A_604 : vector<1x1x3968xf32> to vector<3968xf32>
      %swap3A_606 = arith.constant 59 : index
      %swap3A_607 = arith.constant 0 : index
      %swap3A_608 = vector.load %arg4[%swap3A_606, %swap3A_607] : memref<128x3968xf32, #tpu.memory_space<vmem>>, vector<1x3968xf32>
      %swap3A_609 = vector.shape_cast %swap3A_608 : vector<1x3968xf32> to vector<3968xf32>
      %swap3A_610 = vector.shape_cast %get3A_605 : vector<3968xf32> to vector<1x3968xf32>
      tpu.vector_store %arg4[%swap3A_606, %swap3A_607], %swap3A_610 {strides = array<i32>} : memref<128x3968xf32, #tpu.memory_space<vmem>>, vector<1x3968xf32>,
      %get3A_611 = arith.constant 0 : index
      %get3A_612 = arith.constant 0 : index
      %get3A_613 = arith.constant 67 : index
      %get3A_614 = vector.load %arg2[%get3A_611, %get3A_612, %get3A_613] : memref<1x1x4096xf32, #tpu.memory_space<vmem>>, vector<1x1x3968xf32>
      %get3A_615 = vector.shape_cast %get3A_614 : vector<1x1x3968xf32> to vector<3968xf32>
      %swap3A_616 = arith.constant 60 : index
      %swap3A_617 = arith.constant 0 : index
      %swap3A_618 = vector.load %arg4[%swap3A_616, %swap3A_617] : memref<128x3968xf32, #tpu.memory_space<vmem>>, vector<1x3968xf32>
      %swap3A_619 = vector.shape_cast %swap3A_618 : vector<1x3968xf32> to vector<3968xf32>
      %swap3A_620 = vector.shape_cast %get3A_615 : vector<3968xf32> to vector<1x3968xf32>
      tpu.vector_store %arg4[%swap3A_616, %swap3A_617], %swap3A_620 {strides = array<i32>} : memref<128x3968xf32, #tpu.memory_space<vmem>>, vector<1x3968xf32>,
      %get3A_621 = arith.constant 0 : index
      %get3A_622 = arith.constant 0 : index
      %get3A_623 = arith.constant 66 : index
      %get3A_624 = vector.load %arg2[%get3A_621, %get3A_622, %get3A_623] : memref<1x1x4096xf32, #tpu.memory_space<vmem>>, vector<1x1x3968xf32>
      %get3A_625 = vector.shape_cast %get3A_624 : vector<1x1x3968xf32> to vector<3968xf32>
      %swap3A_626 = arith.constant 61 : index
      %swap3A_627 = arith.constant 0 : index
      %swap3A_628 = vector.load %arg4[%swap3A_626, %swap3A_627] : memref<128x3968xf32, #tpu.memory_space<vmem>>, vector<1x3968xf32>
      %swap3A_629 = vector.shape_cast %swap3A_628 : vector<1x3968xf32> to vector<3968xf32>
      %swap3A_630 = vector.shape_cast %get3A_625 : vector<3968xf32> to vector<1x3968xf32>
      tpu.vector_store %arg4[%swap3A_626, %swap3A_627], %swap3A_630 {strides = array<i32>} : memref<128x3968xf32, #tpu.memory_space<vmem>>, vector<1x3968xf32>,
      %get3A_631 = arith.constant 0 : index
      %get3A_632 = arith.constant 0 : index
      %get3A_633 = arith.constant 65 : index
      %get3A_634 = vector.load %arg2[%get3A_631, %get3A_632, %get3A_633] : memref<1x1x4096xf32, #tpu.memory_space<vmem>>, vector<1x1x3968xf32>
      %get3A_635 = vector.shape_cast %get3A_634 : vector<1x1x3968xf32> to vector<3968xf32>
      %swap3A_636 = arith.constant 62 : index
      %swap3A_637 = arith.constant 0 : index
      %swap3A_638 = vector.load %arg4[%swap3A_636, %swap3A_637] : memref<128x3968xf32, #tpu.memory_space<vmem>>, vector<1x3968xf32>
      %swap3A_639 = vector.shape_cast %swap3A_638 : vector<1x3968xf32> to vector<3968xf32>
      %swap3A_640 = vector.shape_cast %get3A_635 : vector<3968xf32> to vector<1x3968xf32>
      tpu.vector_store %arg4[%swap3A_636, %swap3A_637], %swap3A_640 {strides = array<i32>} : memref<128x3968xf32, #tpu.memory_space<vmem>>, vector<1x3968xf32>,
      %get3A_641 = arith.constant 0 : index
      %get3A_642 = arith.constant 0 : index
      %get3A_643 = arith.constant 64 : index
      %get3A_644 = vector.load %arg2[%get3A_641, %get3A_642, %get3A_643] : memref<1x1x4096xf32, #tpu.memory_space<vmem>>, vector<1x1x3968xf32>
      %get3A_645 = vector.shape_cast %get3A_644 : vector<1x1x3968xf32> to vector<3968xf32>
      %swap3A_646 = arith.constant 63 : index
      %swap3A_647 = arith.constant 0 : index
      %swap3A_648 = vector.load %arg4[%swap3A_646, %swap3A_647] : memref<128x3968xf32, #tpu.memory_space<vmem>>, vector<1x3968xf32>
      %swap3A_649 = vector.shape_cast %swap3A_648 : vector<1x3968xf32> to vector<3968xf32>
      %swap3A_650 = vector.shape_cast %get3A_645 : vector<3968xf32> to vector<1x3968xf32>
      tpu.vector_store %arg4[%swap3A_646, %swap3A_647], %swap3A_650 {strides = array<i32>} : memref<128x3968xf32, #tpu.memory_space<vmem>>, vector<1x3968xf32>,
      %get3A_651 = arith.constant 0 : index
      %get3A_652 = arith.constant 0 : index
      %get3A_653 = arith.constant 63 : index
      %get3A_654 = vector.load %arg2[%get3A_651, %get3A_652, %get3A_653] : memref<1x1x4096xf32, #tpu.memory_space<vmem>>, vector<1x1x3968xf32>
      %get3A_655 = vector.shape_cast %get3A_654 : vector<1x1x3968xf32> to vector<3968xf32>
      %swap3A_656 = arith.constant 64 : index
      %swap3A_657 = arith.constant 0 : index
      %swap3A_658 = vector.load %arg4[%swap3A_656, %swap3A_657] : memref<128x3968xf32, #tpu.memory_space<vmem>>, vector<1x3968xf32>
      %swap3A_659 = vector.shape_cast %swap3A_658 : vector<1x3968xf32> to vector<3968xf32>
      %swap3A_660 = vector.shape_cast %get3A_655 : vector<3968xf32> to vector<1x3968xf32>
      tpu.vector_store %arg4[%swap3A_656, %swap3A_657], %swap3A_660 {strides = array<i32>} : memref<128x3968xf32, #tpu.memory_space<vmem>>, vector<1x3968xf32>,
      %get3A_661 = arith.constant 0 : index
      %get3A_662 = arith.constant 0 : index
      %get3A_663 = arith.constant 62 : index
      %get3A_664 = vector.load %arg2[%get3A_661, %get3A_662, %get3A_663] : memref<1x1x4096xf32, #tpu.memory_space<vmem>>, vector<1x1x3968xf32>
      %get3A_665 = vector.shape_cast %get3A_664 : vector<1x1x3968xf32> to vector<3968xf32>
      %swap3A_666 = arith.constant 65 : index
      %swap3A_667 = arith.constant 0 : index
      %swap3A_668 = vector.load %arg4[%swap3A_666, %swap3A_667] : memref<128x3968xf32, #tpu.memory_space<vmem>>, vector<1x3968xf32>
      %swap3A_669 = vector.shape_cast %swap3A_668 : vector<1x3968xf32> to vector<3968xf32>
      %swap3A_670 = vector.shape_cast %get3A_665 : vector<3968xf32> to vector<1x3968xf32>
      tpu.vector_store %arg4[%swap3A_666, %swap3A_667], %swap3A_670 {strides = array<i32>} : memref<128x3968xf32, #tpu.memory_space<vmem>>, vector<1x3968xf32>,
      %get3A_671 = arith.constant 0 : index
      %get3A_672 = arith.constant 0 : index
      %get3A_673 = arith.constant 61 : index
      %get3A_674 = vector.load %arg2[%get3A_671, %get3A_672, %get3A_673] : memref<1x1x4096xf32, #tpu.memory_space<vmem>>, vector<1x1x3968xf32>
      %get3A_675 = vector.shape_cast %get3A_674 : vector<1x1x3968xf32> to vector<3968xf32>
      %swap3A_676 = arith.constant 66 : index
      %swap3A_677 = arith.constant 0 : index
      %swap3A_678 = vector.load %arg4[%swap3A_676, %swap3A_677] : memref<128x3968xf32, #tpu.memory_space<vmem>>, vector<1x3968xf32>
      %swap3A_679 = vector.shape_cast %swap3A_678 : vector<1x3968xf32> to vector<3968xf32>
      %swap3A_680 = vector.shape_cast %get3A_675 : vector<3968xf32> to vector<1x3968xf32>
      tpu.vector_store %arg4[%swap3A_676, %swap3A_677], %swap3A_680 {strides = array<i32>} : memref<128x3968xf32, #tpu.memory_space<vmem>>, vector<1x3968xf32>,
      %get3A_681 = arith.constant 0 : index
      %get3A_682 = arith.constant 0 : index
      %get3A_683 = arith.constant 60 : index
      %get3A_684 = vector.load %arg2[%get3A_681, %get3A_682, %get3A_683] : memref<1x1x4096xf32, #tpu.memory_space<vmem>>, vector<1x1x3968xf32>
      %get3A_685 = vector.shape_cast %get3A_684 : vector<1x1x3968xf32> to vector<3968xf32>
      %swap3A_686 = arith.constant 67 : index
      %swap3A_687 = arith.constant 0 : index
      %swap3A_688 = vector.load %arg4[%swap3A_686, %swap3A_687] : memref<128x3968xf32, #tpu.memory_space<vmem>>, vector<1x3968xf32>
      %swap3A_689 = vector.shape_cast %swap3A_688 : vector<1x3968xf32> to vector<3968xf32>
      %swap3A_690 = vector.shape_cast %get3A_685 : vector<3968xf32> to vector<1x3968xf32>
      tpu.vector_store %arg4[%swap3A_686, %swap3A_687], %swap3A_690 {strides = array<i32>} : memref<128x3968xf32, #tpu.memory_space<vmem>>, vector<1x3968xf32>,
      %get3A_691 = arith.constant 0 : index
      %get3A_692 = arith.constant 0 : index
      %get3A_693 = arith.constant 59 : index
      %get3A_694 = vector.load %arg2[%get3A_691, %get3A_692, %get3A_693] : memref<1x1x4096xf32, #tpu.memory_space<vmem>>, vector<1x1x3968xf32>
      %get3A_695 = vector.shape_cast %get3A_694 : vector<1x1x3968xf32> to vector<3968xf32>
      %swap3A_696 = arith.constant 68 : index
      %swap3A_697 = arith.constant 0 : index
      %swap3A_698 = vector.load %arg4[%swap3A_696, %swap3A_697] : memref<128x3968xf32, #tpu.memory_space<vmem>>, vector<1x3968xf32>
      %swap3A_699 = vector.shape_cast %swap3A_698 : vector<1x3968xf32> to vector<3968xf32>
      %swap3A_700 = vector.shape_cast %get3A_695 : vector<3968xf32> to vector<1x3968xf32>
      tpu.vector_store %arg4[%swap3A_696, %swap3A_697], %swap3A_700 {strides = array<i32>} : memref<128x3968xf32, #tpu.memory_space<vmem>>, vector<1x3968xf32>,
      %get3A_701 = arith.constant 0 : index
      %get3A_702 = arith.constant 0 : index
      %get3A_703 = arith.constant 58 : index
      %get3A_704 = vector.load %arg2[%get3A_701, %get3A_702, %get3A_703] : memref<1x1x4096xf32, #tpu.memory_space<vmem>>, vector<1x1x3968xf32>
      %get3A_705 = vector.shape_cast %get3A_704 : vector<1x1x3968xf32> to vector<3968xf32>
      %swap3A_706 = arith.constant 69 : index
      %swap3A_707 = arith.constant 0 : index
      %swap3A_708 = vector.load %arg4[%swap3A_706, %swap3A_707] : memref<128x3968xf32, #tpu.memory_space<vmem>>, vector<1x3968xf32>
      %swap3A_709 = vector.shape_cast %swap3A_708 : vector<1x3968xf32> to vector<3968xf32>
      %swap3A_710 = vector.shape_cast %get3A_705 : vector<3968xf32> to vector<1x3968xf32>
      tpu.vector_store %arg4[%swap3A_706, %swap3A_707], %swap3A_710 {strides = array<i32>} : memref<128x3968xf32, #tpu.memory_space<vmem>>, vector<1x3968xf32>,
      %get3A_711 = arith.constant 0 : index
      %get3A_712 = arith.constant 0 : index
      %get3A_713 = arith.constant 57 : index
      %get3A_714 = vector.load %arg2[%get3A_711, %get3A_712, %get3A_713] : memref<1x1x4096xf32, #tpu.memory_space<vmem>>, vector<1x1x3968xf32>
      %get3A_715 = vector.shape_cast %get3A_714 : vector<1x1x3968xf32> to vector<3968xf32>
      %swap3A_716 = arith.constant 70 : index
      %swap3A_717 = arith.constant 0 : index
      %swap3A_718 = vector.load %arg4[%swap3A_716, %swap3A_717] : memref<128x3968xf32, #tpu.memory_space<vmem>>, vector<1x3968xf32>
      %swap3A_719 = vector.shape_cast %swap3A_718 : vector<1x3968xf32> to vector<3968xf32>
      %swap3A_720 = vector.shape_cast %get3A_715 : vector<3968xf32> to vector<1x3968xf32>
      tpu.vector_store %arg4[%swap3A_716, %swap3A_717], %swap3A_720 {strides = array<i32>} : memref<128x3968xf32, #tpu.memory_space<vmem>>, vector<1x3968xf32>,
      %get3A_721 = arith.constant 0 : index
      %get3A_722 = arith.constant 0 : index
      %get3A_723 = arith.constant 56 : index
      %get3A_724 = vector.load %arg2[%get3A_721, %get3A_722, %get3A_723] : memref<1x1x4096xf32, #tpu.memory_space<vmem>>, vector<1x1x3968xf32>
      %get3A_725 = vector.shape_cast %get3A_724 : vector<1x1x3968xf32> to vector<3968xf32>
      %swap3A_726 = arith.constant 71 : index
      %swap3A_727 = arith.constant 0 : index
      %swap3A_728 = vector.load %arg4[%swap3A_726, %swap3A_727] : memref<128x3968xf32, #tpu.memory_space<vmem>>, vector<1x3968xf32>
      %swap3A_729 = vector.shape_cast %swap3A_728 : vector<1x3968xf32> to vector<3968xf32>
      %swap3A_730 = vector.shape_cast %get3A_725 : vector<3968xf32> to vector<1x3968xf32>
      tpu.vector_store %arg4[%swap3A_726, %swap3A_727], %swap3A_730 {strides = array<i32>} : memref<128x3968xf32, #tpu.memory_space<vmem>>, vector<1x3968xf32>,
      %get3A_731 = arith.constant 0 : index
      %get3A_732 = arith.constant 0 : index
      %get3A_733 = arith.constant 55 : index
      %get3A_734 = vector.load %arg2[%get3A_731, %get3A_732, %get3A_733] : memref<1x1x4096xf32, #tpu.memory_space<vmem>>, vector<1x1x3968xf32>
      %get3A_735 = vector.shape_cast %get3A_734 : vector<1x1x3968xf32> to vector<3968xf32>
      %swap3A_736 = arith.constant 72 : index
      %swap3A_737 = arith.constant 0 : index
      %swap3A_738 = vector.load %arg4[%swap3A_736, %swap3A_737] : memref<128x3968xf32, #tpu.memory_space<vmem>>, vector<1x3968xf32>
      %swap3A_739 = vector.shape_cast %swap3A_738 : vector<1x3968xf32> to vector<3968xf32>
      %swap3A_740 = vector.shape_cast %get3A_735 : vector<3968xf32> to vector<1x3968xf32>
      tpu.vector_store %arg4[%swap3A_736, %swap3A_737], %swap3A_740 {strides = array<i32>} : memref<128x3968xf32, #tpu.memory_space<vmem>>, vector<1x3968xf32>,
      %get3A_741 = arith.constant 0 : index
      %get3A_742 = arith.constant 0 : index
      %get3A_743 = arith.constant 54 : index
      %get3A_744 = vector.load %arg2[%get3A_741, %get3A_742, %get3A_743] : memref<1x1x4096xf32, #tpu.memory_space<vmem>>, vector<1x1x3968xf32>
      %get3A_745 = vector.shape_cast %get3A_744 : vector<1x1x3968xf32> to vector<3968xf32>
      %swap3A_746 = arith.constant 73 : index
      %swap3A_747 = arith.constant 0 : index
      %swap3A_748 = vector.load %arg4[%swap3A_746, %swap3A_747] : memref<128x3968xf32, #tpu.memory_space<vmem>>, vector<1x3968xf32>
      %swap3A_749 = vector.shape_cast %swap3A_748 : vector<1x3968xf32> to vector<3968xf32>
      %swap3A_750 = vector.shape_cast %get3A_745 : vector<3968xf32> to vector<1x3968xf32>
      tpu.vector_store %arg4[%swap3A_746, %swap3A_747], %swap3A_750 {strides = array<i32>} : memref<128x3968xf32, #tpu.memory_space<vmem>>, vector<1x3968xf32>,
      %get3A_751 = arith.constant 0 : index
      %get3A_752 = arith.constant 0 : index
      %get3A_753 = arith.constant 53 : index
      %get3A_754 = vector.load %arg2[%get3A_751, %get3A_752, %get3A_753] : memref<1x1x4096xf32, #tpu.memory_space<vmem>>, vector<1x1x3968xf32>
      %get3A_755 = vector.shape_cast %get3A_754 : vector<1x1x3968xf32> to vector<3968xf32>
      %swap3A_756 = arith.constant 74 : index
      %swap3A_757 = arith.constant 0 : index
      %swap3A_758 = vector.load %arg4[%swap3A_756, %swap3A_757] : memref<128x3968xf32, #tpu.memory_space<vmem>>, vector<1x3968xf32>
      %swap3A_759 = vector.shape_cast %swap3A_758 : vector<1x3968xf32> to vector<3968xf32>
      %swap3A_760 = vector.shape_cast %get3A_755 : vector<3968xf32> to vector<1x3968xf32>
      tpu.vector_store %arg4[%swap3A_756, %swap3A_757], %swap3A_760 {strides = array<i32>} : memref<128x3968xf32, #tpu.memory_space<vmem>>, vector<1x3968xf32>,
      %get3A_761 = arith.constant 0 : index
      %get3A_762 = arith.constant 0 : index
      %get3A_763 = arith.constant 52 : index
      %get3A_764 = vector.load %arg2[%get3A_761, %get3A_762, %get3A_763] : memref<1x1x4096xf32, #tpu.memory_space<vmem>>, vector<1x1x3968xf32>
      %get3A_765 = vector.shape_cast %get3A_764 : vector<1x1x3968xf32> to vector<3968xf32>
      %swap3A_766 = arith.constant 75 : index
      %swap3A_767 = arith.constant 0 : index
      %swap3A_768 = vector.load %arg4[%swap3A_766, %swap3A_767] : memref<128x3968xf32, #tpu.memory_space<vmem>>, vector<1x3968xf32>
      %swap3A_769 = vector.shape_cast %swap3A_768 : vector<1x3968xf32> to vector<3968xf32>
      %swap3A_770 = vector.shape_cast %get3A_765 : vector<3968xf32> to vector<1x3968xf32>
      tpu.vector_store %arg4[%swap3A_766, %swap3A_767], %swap3A_770 {strides = array<i32>} : memref<128x3968xf32, #tpu.memory_space<vmem>>, vector<1x3968xf32>,
      %get3A_771 = arith.constant 0 : index
      %get3A_772 = arith.constant 0 : index
      %get3A_773 = arith.constant 51 : index
      %get3A_774 = vector.load %arg2[%get3A_771, %get3A_772, %get3A_773] : memref<1x1x4096xf32, #tpu.memory_space<vmem>>, vector<1x1x3968xf32>
      %get3A_775 = vector.shape_cast %get3A_774 : vector<1x1x3968xf32> to vector<3968xf32>
      %swap3A_776 = arith.constant 76 : index
      %swap3A_777 = arith.constant 0 : index
      %swap3A_778 = vector.load %arg4[%swap3A_776, %swap3A_777] : memref<128x3968xf32, #tpu.memory_space<vmem>>, vector<1x3968xf32>
      %swap3A_779 = vector.shape_cast %swap3A_778 : vector<1x3968xf32> to vector<3968xf32>
      %swap3A_780 = vector.shape_cast %get3A_775 : vector<3968xf32> to vector<1x3968xf32>
      tpu.vector_store %arg4[%swap3A_776, %swap3A_777], %swap3A_780 {strides = array<i32>} : memref<128x3968xf32, #tpu.memory_space<vmem>>, vector<1x3968xf32>,
      %get3A_781 = arith.constant 0 : index
      %get3A_782 = arith.constant 0 : index
      %get3A_783 = arith.constant 50 : index
      %get3A_784 = vector.load %arg2[%get3A_781, %get3A_782, %get3A_783] : memref<1x1x4096xf32, #tpu.memory_space<vmem>>, vector<1x1x3968xf32>
      %get3A_785 = vector.shape_cast %get3A_784 : vector<1x1x3968xf32> to vector<3968xf32>
      %swap3A_786 = arith.constant 77 : index
      %swap3A_787 = arith.constant 0 : index
      %swap3A_788 = vector.load %arg4[%swap3A_786, %swap3A_787] : memref<128x3968xf32, #tpu.memory_space<vmem>>, vector<1x3968xf32>
      %swap3A_789 = vector.shape_cast %swap3A_788 : vector<1x3968xf32> to vector<3968xf32>
      %swap3A_790 = vector.shape_cast %get3A_785 : vector<3968xf32> to vector<1x3968xf32>
      tpu.vector_store %arg4[%swap3A_786, %swap3A_787], %swap3A_790 {strides = array<i32>} : memref<128x3968xf32, #tpu.memory_space<vmem>>, vector<1x3968xf32>,
      %get3A_791 = arith.constant 0 : index
      %get3A_792 = arith.constant 0 : index
      %get3A_793 = arith.constant 49 : index
      %get3A_794 = vector.load %arg2[%get3A_791, %get3A_792, %get3A_793] : memref<1x1x4096xf32, #tpu.memory_space<vmem>>, vector<1x1x3968xf32>
      %get3A_795 = vector.shape_cast %get3A_794 : vector<1x1x3968xf32> to vector<3968xf32>
      %swap3A_796 = arith.constant 78 : index
      %swap3A_797 = arith.constant 0 : index
      %swap3A_798 = vector.load %arg4[%swap3A_796, %swap3A_797] : memref<128x3968xf32, #tpu.memory_space<vmem>>, vector<1x3968xf32>
      %swap3A_799 = vector.shape_cast %swap3A_798 : vector<1x3968xf32> to vector<3968xf32>
      %swap3A_800 = vector.shape_cast %get3A_795 : vector<3968xf32> to vector<1x3968xf32>
      tpu.vector_store %arg4[%swap3A_796, %swap3A_797], %swap3A_800 {strides = array<i32>} : memref<128x3968xf32, #tpu.memory_space<vmem>>, vector<1x3968xf32>,
      %get3A_801 = arith.constant 0 : index
      %get3A_802 = arith.constant 0 : index
      %get3A_803 = arith.constant 48 : index
      %get3A_804 = vector.load %arg2[%get3A_801, %get3A_802, %get3A_803] : memref<1x1x4096xf32, #tpu.memory_space<vmem>>, vector<1x1x3968xf32>
      %get3A_805 = vector.shape_cast %get3A_804 : vector<1x1x3968xf32> to vector<3968xf32>
      %swap3A_806 = arith.constant 79 : index
      %swap3A_807 = arith.constant 0 : index
      %swap3A_808 = vector.load %arg4[%swap3A_806, %swap3A_807] : memref<128x3968xf32, #tpu.memory_space<vmem>>, vector<1x3968xf32>
      %swap3A_809 = vector.shape_cast %swap3A_808 : vector<1x3968xf32> to vector<3968xf32>
      %swap3A_810 = vector.shape_cast %get3A_805 : vector<3968xf32> to vector<1x3968xf32>
      tpu.vector_store %arg4[%swap3A_806, %swap3A_807], %swap3A_810 {strides = array<i32>} : memref<128x3968xf32, #tpu.memory_space<vmem>>, vector<1x3968xf32>,
      %get3A_811 = arith.constant 0 : index
      %get3A_812 = arith.constant 0 : index
      %get3A_813 = arith.constant 47 : index
      %get3A_814 = vector.load %arg2[%get3A_811, %get3A_812, %get3A_813] : memref<1x1x4096xf32, #tpu.memory_space<vmem>>, vector<1x1x3968xf32>
      %get3A_815 = vector.shape_cast %get3A_814 : vector<1x1x3968xf32> to vector<3968xf32>
      %swap3A_816 = arith.constant 80 : index
      %swap3A_817 = arith.constant 0 : index
      %swap3A_818 = vector.load %arg4[%swap3A_816, %swap3A_817] : memref<128x3968xf32, #tpu.memory_space<vmem>>, vector<1x3968xf32>
      %swap3A_819 = vector.shape_cast %swap3A_818 : vector<1x3968xf32> to vector<3968xf32>
      %swap3A_820 = vector.shape_cast %get3A_815 : vector<3968xf32> to vector<1x3968xf32>
      tpu.vector_store %arg4[%swap3A_816, %swap3A_817], %swap3A_820 {strides = array<i32>} : memref<128x3968xf32, #tpu.memory_space<vmem>>, vector<1x3968xf32>,
      %get3A_821 = arith.constant 0 : index
      %get3A_822 = arith.constant 0 : index
      %get3A_823 = arith.constant 46 : index
      %get3A_824 = vector.load %arg2[%get3A_821, %get3A_822, %get3A_823] : memref<1x1x4096xf32, #tpu.memory_space<vmem>>, vector<1x1x3968xf32>
      %get3A_825 = vector.shape_cast %get3A_824 : vector<1x1x3968xf32> to vector<3968xf32>
      %swap3A_826 = arith.constant 81 : index
      %swap3A_827 = arith.constant 0 : index
      %swap3A_828 = vector.load %arg4[%swap3A_826, %swap3A_827] : memref<128x3968xf32, #tpu.memory_space<vmem>>, vector<1x3968xf32>
      %swap3A_829 = vector.shape_cast %swap3A_828 : vector<1x3968xf32> to vector<3968xf32>
      %swap3A_830 = vector.shape_cast %get3A_825 : vector<3968xf32> to vector<1x3968xf32>
      tpu.vector_store %arg4[%swap3A_826, %swap3A_827], %swap3A_830 {strides = array<i32>} : memref<128x3968xf32, #tpu.memory_space<vmem>>, vector<1x3968xf32>,
      %get3A_831 = arith.constant 0 : index
      %get3A_832 = arith.constant 0 : index
      %get3A_833 = arith.constant 45 : index
      %get3A_834 = vector.load %arg2[%get3A_831, %get3A_832, %get3A_833] : memref<1x1x4096xf32, #tpu.memory_space<vmem>>, vector<1x1x3968xf32>
      %get3A_835 = vector.shape_cast %get3A_834 : vector<1x1x3968xf32> to vector<3968xf32>
      %swap3A_836 = arith.constant 82 : index
      %swap3A_837 = arith.constant 0 : index
      %swap3A_838 = vector.load %arg4[%swap3A_836, %swap3A_837] : memref<128x3968xf32, #tpu.memory_space<vmem>>, vector<1x3968xf32>
      %swap3A_839 = vector.shape_cast %swap3A_838 : vector<1x3968xf32> to vector<3968xf32>
      %swap3A_840 = vector.shape_cast %get3A_835 : vector<3968xf32> to vector<1x3968xf32>
      tpu.vector_store %arg4[%swap3A_836, %swap3A_837], %swap3A_840 {strides = array<i32>} : memref<128x3968xf32, #tpu.memory_space<vmem>>, vector<1x3968xf32>,
      %get3A_841 = arith.constant 0 : index
      %get3A_842 = arith.constant 0 : index
      %get3A_843 = arith.constant 44 : index
      %get3A_844 = vector.load %arg2[%get3A_841, %get3A_842, %get3A_843] : memref<1x1x4096xf32, #tpu.memory_space<vmem>>, vector<1x1x3968xf32>
      %get3A_845 = vector.shape_cast %get3A_844 : vector<1x1x3968xf32> to vector<3968xf32>
      %swap3A_846 = arith.constant 83 : index
      %swap3A_847 = arith.constant 0 : index
      %swap3A_848 = vector.load %arg4[%swap3A_846, %swap3A_847] : memref<128x3968xf32, #tpu.memory_space<vmem>>, vector<1x3968xf32>
      %swap3A_849 = vector.shape_cast %swap3A_848 : vector<1x3968xf32> to vector<3968xf32>
      %swap3A_850 = vector.shape_cast %get3A_845 : vector<3968xf32> to vector<1x3968xf32>
      tpu.vector_store %arg4[%swap3A_846, %swap3A_847], %swap3A_850 {strides = array<i32>} : memref<128x3968xf32, #tpu.memory_space<vmem>>, vector<1x3968xf32>,
      %get3A_851 = arith.constant 0 : index
      %get3A_852 = arith.constant 0 : index
      %get3A_853 = arith.constant 43 : index
      %get3A_854 = vector.load %arg2[%get3A_851, %get3A_852, %get3A_853] : memref<1x1x4096xf32, #tpu.memory_space<vmem>>, vector<1x1x3968xf32>
      %get3A_855 = vector.shape_cast %get3A_854 : vector<1x1x3968xf32> to vector<3968xf32>
      %swap3A_856 = arith.constant 84 : index
      %swap3A_857 = arith.constant 0 : index
      %swap3A_858 = vector.load %arg4[%swap3A_856, %swap3A_857] : memref<128x3968xf32, #tpu.memory_space<vmem>>, vector<1x3968xf32>
      %swap3A_859 = vector.shape_cast %swap3A_858 : vector<1x3968xf32> to vector<3968xf32>
      %swap3A_860 = vector.shape_cast %get3A_855 : vector<3968xf32> to vector<1x3968xf32>
      tpu.vector_store %arg4[%swap3A_856, %swap3A_857], %swap3A_860 {strides = array<i32>} : memref<128x3968xf32, #tpu.memory_space<vmem>>, vector<1x3968xf32>,
      %get3A_861 = arith.constant 0 : index
      %get3A_862 = arith.constant 0 : index
      %get3A_863 = arith.constant 42 : index
      %get3A_864 = vector.load %arg2[%get3A_861, %get3A_862, %get3A_863] : memref<1x1x4096xf32, #tpu.memory_space<vmem>>, vector<1x1x3968xf32>
      %get3A_865 = vector.shape_cast %get3A_864 : vector<1x1x3968xf32> to vector<3968xf32>
      %swap3A_866 = arith.constant 85 : index
      %swap3A_867 = arith.constant 0 : index
      %swap3A_868 = vector.load %arg4[%swap3A_866, %swap3A_867] : memref<128x3968xf32, #tpu.memory_space<vmem>>, vector<1x3968xf32>
      %swap3A_869 = vector.shape_cast %swap3A_868 : vector<1x3968xf32> to vector<3968xf32>
      %swap3A_870 = vector.shape_cast %get3A_865 : vector<3968xf32> to vector<1x3968xf32>
      tpu.vector_store %arg4[%swap3A_866, %swap3A_867], %swap3A_870 {strides = array<i32>} : memref<128x3968xf32, #tpu.memory_space<vmem>>, vector<1x3968xf32>,
      %get3A_871 = arith.constant 0 : index
      %get3A_872 = arith.constant 0 : index
      %get3A_873 = arith.constant 41 : index
      %get3A_874 = vector.load %arg2[%get3A_871, %get3A_872, %get3A_873] : memref<1x1x4096xf32, #tpu.memory_space<vmem>>, vector<1x1x3968xf32>
      %get3A_875 = vector.shape_cast %get3A_874 : vector<1x1x3968xf32> to vector<3968xf32>
      %swap3A_876 = arith.constant 86 : index
      %swap3A_877 = arith.constant 0 : index
      %swap3A_878 = vector.load %arg4[%swap3A_876, %swap3A_877] : memref<128x3968xf32, #tpu.memory_space<vmem>>, vector<1x3968xf32>
      %swap3A_879 = vector.shape_cast %swap3A_878 : vector<1x3968xf32> to vector<3968xf32>
      %swap3A_880 = vector.shape_cast %get3A_875 : vector<3968xf32> to vector<1x3968xf32>
      tpu.vector_store %arg4[%swap3A_876, %swap3A_877], %swap3A_880 {strides = array<i32>} : memref<128x3968xf32, #tpu.memory_space<vmem>>, vector<1x3968xf32>,
      %get3A_881 = arith.constant 0 : index
      %get3A_882 = arith.constant 0 : index
      %get3A_883 = arith.constant 40 : index
      %get3A_884 = vector.load %arg2[%get3A_881, %get3A_882, %get3A_883] : memref<1x1x4096xf32, #tpu.memory_space<vmem>>, vector<1x1x3968xf32>
      %get3A_885 = vector.shape_cast %get3A_884 : vector<1x1x3968xf32> to vector<3968xf32>
      %swap3A_886 = arith.constant 87 : index
      %swap3A_887 = arith.constant 0 : index
      %swap3A_888 = vector.load %arg4[%swap3A_886, %swap3A_887] : memref<128x3968xf32, #tpu.memory_space<vmem>>, vector<1x3968xf32>
      %swap3A_889 = vector.shape_cast %swap3A_888 : vector<1x3968xf32> to vector<3968xf32>
      %swap3A_890 = vector.shape_cast %get3A_885 : vector<3968xf32> to vector<1x3968xf32>
      tpu.vector_store %arg4[%swap3A_886, %swap3A_887], %swap3A_890 {strides = array<i32>} : memref<128x3968xf32, #tpu.memory_space<vmem>>, vector<1x3968xf32>,
      %get3A_891 = arith.constant 0 : index
      %get3A_892 = arith.constant 0 : index
      %get3A_893 = arith.constant 39 : index
      %get3A_894 = vector.load %arg2[%get3A_891, %get3A_892, %get3A_893] : memref<1x1x4096xf32, #tpu.memory_space<vmem>>, vector<1x1x3968xf32>
      %get3A_895 = vector.shape_cast %get3A_894 : vector<1x1x3968xf32> to vector<3968xf32>
      %swap3A_896 = arith.constant 88 : index
      %swap3A_897 = arith.constant 0 : index
      %swap3A_898 = vector.load %arg4[%swap3A_896, %swap3A_897] : memref<128x3968xf32, #tpu.memory_space<vmem>>, vector<1x3968xf32>
      %swap3A_899 = vector.shape_cast %swap3A_898 : vector<1x3968xf32> to vector<3968xf32>
      %swap3A_900 = vector.shape_cast %get3A_895 : vector<3968xf32> to vector<1x3968xf32>
      tpu.vector_store %arg4[%swap3A_896, %swap3A_897], %swap3A_900 {strides = array<i32>} : memref<128x3968xf32, #tpu.memory_space<vmem>>, vector<1x3968xf32>,
      %get3A_901 = arith.constant 0 : index
      %get3A_902 = arith.constant 0 : index
      %get3A_903 = arith.constant 38 : index
      %get3A_904 = vector.load %arg2[%get3A_901, %get3A_902, %get3A_903] : memref<1x1x4096xf32, #tpu.memory_space<vmem>>, vector<1x1x3968xf32>
      %get3A_905 = vector.shape_cast %get3A_904 : vector<1x1x3968xf32> to vector<3968xf32>
      %swap3A_906 = arith.constant 89 : index
      %swap3A_907 = arith.constant 0 : index
      %swap3A_908 = vector.load %arg4[%swap3A_906, %swap3A_907] : memref<128x3968xf32, #tpu.memory_space<vmem>>, vector<1x3968xf32>
      %swap3A_909 = vector.shape_cast %swap3A_908 : vector<1x3968xf32> to vector<3968xf32>
      %swap3A_910 = vector.shape_cast %get3A_905 : vector<3968xf32> to vector<1x3968xf32>
      tpu.vector_store %arg4[%swap3A_906, %swap3A_907], %swap3A_910 {strides = array<i32>} : memref<128x3968xf32, #tpu.memory_space<vmem>>, vector<1x3968xf32>,
      %get3A_911 = arith.constant 0 : index
      %get3A_912 = arith.constant 0 : index
      %get3A_913 = arith.constant 37 : index
      %get3A_914 = vector.load %arg2[%get3A_911, %get3A_912, %get3A_913] : memref<1x1x4096xf32, #tpu.memory_space<vmem>>, vector<1x1x3968xf32>
      %get3A_915 = vector.shape_cast %get3A_914 : vector<1x1x3968xf32> to vector<3968xf32>
      %swap3A_916 = arith.constant 90 : index
      %swap3A_917 = arith.constant 0 : index
      %swap3A_918 = vector.load %arg4[%swap3A_916, %swap3A_917] : memref<128x3968xf32, #tpu.memory_space<vmem>>, vector<1x3968xf32>
      %swap3A_919 = vector.shape_cast %swap3A_918 : vector<1x3968xf32> to vector<3968xf32>
      %swap3A_920 = vector.shape_cast %get3A_915 : vector<3968xf32> to vector<1x3968xf32>
      tpu.vector_store %arg4[%swap3A_916, %swap3A_917], %swap3A_920 {strides = array<i32>} : memref<128x3968xf32, #tpu.memory_space<vmem>>, vector<1x3968xf32>,
      %get3A_921 = arith.constant 0 : index
      %get3A_922 = arith.constant 0 : index
      %get3A_923 = arith.constant 36 : index
      %get3A_924 = vector.load %arg2[%get3A_921, %get3A_922, %get3A_923] : memref<1x1x4096xf32, #tpu.memory_space<vmem>>, vector<1x1x3968xf32>
      %get3A_925 = vector.shape_cast %get3A_924 : vector<1x1x3968xf32> to vector<3968xf32>
      %swap3A_926 = arith.constant 91 : index
      %swap3A_927 = arith.constant 0 : index
      %swap3A_928 = vector.load %arg4[%swap3A_926, %swap3A_927] : memref<128x3968xf32, #tpu.memory_space<vmem>>, vector<1x3968xf32>
      %swap3A_929 = vector.shape_cast %swap3A_928 : vector<1x3968xf32> to vector<3968xf32>
      %swap3A_930 = vector.shape_cast %get3A_925 : vector<3968xf32> to vector<1x3968xf32>
      tpu.vector_store %arg4[%swap3A_926, %swap3A_927], %swap3A_930 {strides = array<i32>} : memref<128x3968xf32, #tpu.memory_space<vmem>>, vector<1x3968xf32>,
      %get3A_931 = arith.constant 0 : index
      %get3A_932 = arith.constant 0 : index
      %get3A_933 = arith.constant 35 : index
      %get3A_934 = vector.load %arg2[%get3A_931, %get3A_932, %get3A_933] : memref<1x1x4096xf32, #tpu.memory_space<vmem>>, vector<1x1x3968xf32>
      %get3A_935 = vector.shape_cast %get3A_934 : vector<1x1x3968xf32> to vector<3968xf32>
      %swap3A_936 = arith.constant 92 : index
      %swap3A_937 = arith.constant 0 : index
      %swap3A_938 = vector.load %arg4[%swap3A_936, %swap3A_937] : memref<128x3968xf32, #tpu.memory_space<vmem>>, vector<1x3968xf32>
      %swap3A_939 = vector.shape_cast %swap3A_938 : vector<1x3968xf32> to vector<3968xf32>
      %swap3A_940 = vector.shape_cast %get3A_935 : vector<3968xf32> to vector<1x3968xf32>
      tpu.vector_store %arg4[%swap3A_936, %swap3A_937], %swap3A_940 {strides = array<i32>} : memref<128x3968xf32, #tpu.memory_space<vmem>>, vector<1x3968xf32>,
      %get3A_941 = arith.constant 0 : index
      %get3A_942 = arith.constant 0 : index
      %get3A_943 = arith.constant 34 : index
      %get3A_944 = vector.load %arg2[%get3A_941, %get3A_942, %get3A_943] : memref<1x1x4096xf32, #tpu.memory_space<vmem>>, vector<1x1x3968xf32>
      %get3A_945 = vector.shape_cast %get3A_944 : vector<1x1x3968xf32> to vector<3968xf32>
      %swap3A_946 = arith.constant 93 : index
      %swap3A_947 = arith.constant 0 : index
      %swap3A_948 = vector.load %arg4[%swap3A_946, %swap3A_947] : memref<128x3968xf32, #tpu.memory_space<vmem>>, vector<1x3968xf32>
      %swap3A_949 = vector.shape_cast %swap3A_948 : vector<1x3968xf32> to vector<3968xf32>
      %swap3A_950 = vector.shape_cast %get3A_945 : vector<3968xf32> to vector<1x3968xf32>
      tpu.vector_store %arg4[%swap3A_946, %swap3A_947], %swap3A_950 {strides = array<i32>} : memref<128x3968xf32, #tpu.memory_space<vmem>>, vector<1x3968xf32>,
      %get3A_951 = arith.constant 0 : index
      %get3A_952 = arith.constant 0 : index
      %get3A_953 = arith.constant 33 : index
      %get3A_954 = vector.load %arg2[%get3A_951, %get3A_952, %get3A_953] : memref<1x1x4096xf32, #tpu.memory_space<vmem>>, vector<1x1x3968xf32>
      %get3A_955 = vector.shape_cast %get3A_954 : vector<1x1x3968xf32> to vector<3968xf32>
      %swap3A_956 = arith.constant 94 : index
      %swap3A_957 = arith.constant 0 : index
      %swap3A_958 = vector.load %arg4[%swap3A_956, %swap3A_957] : memref<128x3968xf32, #tpu.memory_space<vmem>>, vector<1x3968xf32>
      %swap3A_959 = vector.shape_cast %swap3A_958 : vector<1x3968xf32> to vector<3968xf32>
      %swap3A_960 = vector.shape_cast %get3A_955 : vector<3968xf32> to vector<1x3968xf32>
      tpu.vector_store %arg4[%swap3A_956, %swap3A_957], %swap3A_960 {strides = array<i32>} : memref<128x3968xf32, #tpu.memory_space<vmem>>, vector<1x3968xf32>,
      %get3A_961 = arith.constant 0 : index
      %get3A_962 = arith.constant 0 : index
      %get3A_963 = arith.constant 32 : index
      %get3A_964 = vector.load %arg2[%get3A_961, %get3A_962, %get3A_963] : memref<1x1x4096xf32, #tpu.memory_space<vmem>>, vector<1x1x3968xf32>
      %get3A_965 = vector.shape_cast %get3A_964 : vector<1x1x3968xf32> to vector<3968xf32>
      %swap3A_966 = arith.constant 95 : index
      %swap3A_967 = arith.constant 0 : index
      %swap3A_968 = vector.load %arg4[%swap3A_966, %swap3A_967] : memref<128x3968xf32, #tpu.memory_space<vmem>>, vector<1x3968xf32>
      %swap3A_969 = vector.shape_cast %swap3A_968 : vector<1x3968xf32> to vector<3968xf32>
      %swap3A_970 = vector.shape_cast %get3A_965 : vector<3968xf32> to vector<1x3968xf32>
      tpu.vector_store %arg4[%swap3A_966, %swap3A_967], %swap3A_970 {strides = array<i32>} : memref<128x3968xf32, #tpu.memory_space<vmem>>, vector<1x3968xf32>,
      %get3A_971 = arith.constant 0 : index
      %get3A_972 = arith.constant 0 : index
      %get3A_973 = arith.constant 31 : index
      %get3A_974 = vector.load %arg2[%get3A_971, %get3A_972, %get3A_973] : memref<1x1x4096xf32, #tpu.memory_space<vmem>>, vector<1x1x3968xf32>
      %get3A_975 = vector.shape_cast %get3A_974 : vector<1x1x3968xf32> to vector<3968xf32>
      %swap3A_976 = arith.constant 96 : index
      %swap3A_977 = arith.constant 0 : index
      %swap3A_978 = vector.load %arg4[%swap3A_976, %swap3A_977] : memref<128x3968xf32, #tpu.memory_space<vmem>>, vector<1x3968xf32>
      %swap3A_979 = vector.shape_cast %swap3A_978 : vector<1x3968xf32> to vector<3968xf32>
      %swap3A_980 = vector.shape_cast %get3A_975 : vector<3968xf32> to vector<1x3968xf32>
      tpu.vector_store %arg4[%swap3A_976, %swap3A_977], %swap3A_980 {strides = array<i32>} : memref<128x3968xf32, #tpu.memory_space<vmem>>, vector<1x3968xf32>,
      %get3A_981 = arith.constant 0 : index
      %get3A_982 = arith.constant 0 : index
      %get3A_983 = arith.constant 30 : index
      %get3A_984 = vector.load %arg2[%get3A_981, %get3A_982, %get3A_983] : memref<1x1x4096xf32, #tpu.memory_space<vmem>>, vector<1x1x3968xf32>
      %get3A_985 = vector.shape_cast %get3A_984 : vector<1x1x3968xf32> to vector<3968xf32>
      %swap3A_986 = arith.constant 97 : index
      %swap3A_987 = arith.constant 0 : index
      %swap3A_988 = vector.load %arg4[%swap3A_986, %swap3A_987] : memref<128x3968xf32, #tpu.memory_space<vmem>>, vector<1x3968xf32>
      %swap3A_989 = vector.shape_cast %swap3A_988 : vector<1x3968xf32> to vector<3968xf32>
      %swap3A_990 = vector.shape_cast %get3A_985 : vector<3968xf32> to vector<1x3968xf32>
      tpu.vector_store %arg4[%swap3A_986, %swap3A_987], %swap3A_990 {strides = array<i32>} : memref<128x3968xf32, #tpu.memory_space<vmem>>, vector<1x3968xf32>,
      %get3A_991 = arith.constant 0 : index
      %get3A_992 = arith.constant 0 : index
      %get3A_993 = arith.constant 29 : index
      %get3A_994 = vector.load %arg2[%get3A_991, %get3A_992, %get3A_993] : memref<1x1x4096xf32, #tpu.memory_space<vmem>>, vector<1x1x3968xf32>
      %get3A_995 = vector.shape_cast %get3A_994 : vector<1x1x3968xf32> to vector<3968xf32>
      %swap3A_996 = arith.constant 98 : index
      %swap3A_997 = arith.constant 0 : index
      %swap3A_998 = vector.load %arg4[%swap3A_996, %swap3A_997] : memref<128x3968xf32, #tpu.memory_space<vmem>>, vector<1x3968xf32>
      %swap3A_999 = vector.shape_cast %swap3A_998 : vector<1x3968xf32> to vector<3968xf32>
      %swap3A_1000 = vector.shape_cast %get3A_995 : vector<3968xf32> to vector<1x3968xf32>
      tpu.vector_store %arg4[%swap3A_996, %swap3A_997], %swap3A_1000 {strides = array<i32>} : memref<128x3968xf32, #tpu.memory_space<vmem>>, vector<1x3968xf32>,
      %get3A_1001 = arith.constant 0 : index
      %get3A_1002 = arith.constant 0 : index
      %get3A_1003 = arith.constant 28 : index
      %get3A_1004 = vector.load %arg2[%get3A_1001, %get3A_1002, %get3A_1003] : memref<1x1x4096xf32, #tpu.memory_space<vmem>>, vector<1x1x3968xf32>
      %get3A_1005 = vector.shape_cast %get3A_1004 : vector<1x1x3968xf32> to vector<3968xf32>
      %swap3A_1006 = arith.constant 99 : index
      %swap3A_1007 = arith.constant 0 : index
      %swap3A_1008 = vector.load %arg4[%swap3A_1006, %swap3A_1007] : memref<128x3968xf32, #tpu.memory_space<vmem>>, vector<1x3968xf32>
      %swap3A_1009 = vector.shape_cast %swap3A_1008 : vector<1x3968xf32> to vector<3968xf32>
      %swap3A_1010 = vector.shape_cast %get3A_1005 : vector<3968xf32> to vector<1x3968xf32>
      tpu.vector_store %arg4[%swap3A_1006, %swap3A_1007], %swap3A_1010 {strides = array<i32>} : memref<128x3968xf32, #tpu.memory_space<vmem>>, vector<1x3968xf32>,
      %get3A_1011 = arith.constant 0 : index
      %get3A_1012 = arith.constant 0 : index
      %get3A_1013 = arith.constant 27 : index
      %get3A_1014 = vector.load %arg2[%get3A_1011, %get3A_1012, %get3A_1013] : memref<1x1x4096xf32, #tpu.memory_space<vmem>>, vector<1x1x3968xf32>
      %get3A_1015 = vector.shape_cast %get3A_1014 : vector<1x1x3968xf32> to vector<3968xf32>
      %swap3A_1016 = arith.constant 100 : index
      %swap3A_1017 = arith.constant 0 : index
      %swap3A_1018 = vector.load %arg4[%swap3A_1016, %swap3A_1017] : memref<128x3968xf32, #tpu.memory_space<vmem>>, vector<1x3968xf32>
      %swap3A_1019 = vector.shape_cast %swap3A_1018 : vector<1x3968xf32> to vector<3968xf32>
      %swap3A_1020 = vector.shape_cast %get3A_1015 : vector<3968xf32> to vector<1x3968xf32>
      tpu.vector_store %arg4[%swap3A_1016, %swap3A_1017], %swap3A_1020 {strides = array<i32>} : memref<128x3968xf32, #tpu.memory_space<vmem>>, vector<1x3968xf32>,
      %get3A_1021 = arith.constant 0 : index
      %get3A_1022 = arith.constant 0 : index
      %get3A_1023 = arith.constant 26 : index
      %get3A_1024 = vector.load %arg2[%get3A_1021, %get3A_1022, %get3A_1023] : memref<1x1x4096xf32, #tpu.memory_space<vmem>>, vector<1x1x3968xf32>
      %get3A_1025 = vector.shape_cast %get3A_1024 : vector<1x1x3968xf32> to vector<3968xf32>
      %swap3A_1026 = arith.constant 101 : index
      %swap3A_1027 = arith.constant 0 : index
      %swap3A_1028 = vector.load %arg4[%swap3A_1026, %swap3A_1027] : memref<128x3968xf32, #tpu.memory_space<vmem>>, vector<1x3968xf32>
      %swap3A_1029 = vector.shape_cast %swap3A_1028 : vector<1x3968xf32> to vector<3968xf32>
      %swap3A_1030 = vector.shape_cast %get3A_1025 : vector<3968xf32> to vector<1x3968xf32>
      tpu.vector_store %arg4[%swap3A_1026, %swap3A_1027], %swap3A_1030 {strides = array<i32>} : memref<128x3968xf32, #tpu.memory_space<vmem>>, vector<1x3968xf32>,
      %get3A_1031 = arith.constant 0 : index
      %get3A_1032 = arith.constant 0 : index
      %get3A_1033 = arith.constant 25 : index
      %get3A_1034 = vector.load %arg2[%get3A_1031, %get3A_1032, %get3A_1033] : memref<1x1x4096xf32, #tpu.memory_space<vmem>>, vector<1x1x3968xf32>
      %get3A_1035 = vector.shape_cast %get3A_1034 : vector<1x1x3968xf32> to vector<3968xf32>
      %swap3A_1036 = arith.constant 102 : index
      %swap3A_1037 = arith.constant 0 : index
      %swap3A_1038 = vector.load %arg4[%swap3A_1036, %swap3A_1037] : memref<128x3968xf32, #tpu.memory_space<vmem>>, vector<1x3968xf32>
      %swap3A_1039 = vector.shape_cast %swap3A_1038 : vector<1x3968xf32> to vector<3968xf32>
      %swap3A_1040 = vector.shape_cast %get3A_1035 : vector<3968xf32> to vector<1x3968xf32>
      tpu.vector_store %arg4[%swap3A_1036, %swap3A_1037], %swap3A_1040 {strides = array<i32>} : memref<128x3968xf32, #tpu.memory_space<vmem>>, vector<1x3968xf32>,
      %get3A_1041 = arith.constant 0 : index
      %get3A_1042 = arith.constant 0 : index
      %get3A_1043 = arith.constant 24 : index
      %get3A_1044 = vector.load %arg2[%get3A_1041, %get3A_1042, %get3A_1043] : memref<1x1x4096xf32, #tpu.memory_space<vmem>>, vector<1x1x3968xf32>
      %get3A_1045 = vector.shape_cast %get3A_1044 : vector<1x1x3968xf32> to vector<3968xf32>
      %swap3A_1046 = arith.constant 103 : index
      %swap3A_1047 = arith.constant 0 : index
      %swap3A_1048 = vector.load %arg4[%swap3A_1046, %swap3A_1047] : memref<128x3968xf32, #tpu.memory_space<vmem>>, vector<1x3968xf32>
      %swap3A_1049 = vector.shape_cast %swap3A_1048 : vector<1x3968xf32> to vector<3968xf32>
      %swap3A_1050 = vector.shape_cast %get3A_1045 : vector<3968xf32> to vector<1x3968xf32>
      tpu.vector_store %arg4[%swap3A_1046, %swap3A_1047], %swap3A_1050 {strides = array<i32>} : memref<128x3968xf32, #tpu.memory_space<vmem>>, vector<1x3968xf32>,
      %get3A_1051 = arith.constant 0 : index
      %get3A_1052 = arith.constant 0 : index
      %get3A_1053 = arith.constant 23 : index
      %get3A_1054 = vector.load %arg2[%get3A_1051, %get3A_1052, %get3A_1053] : memref<1x1x4096xf32, #tpu.memory_space<vmem>>, vector<1x1x3968xf32>
      %get3A_1055 = vector.shape_cast %get3A_1054 : vector<1x1x3968xf32> to vector<3968xf32>
      %swap3A_1056 = arith.constant 104 : index
      %swap3A_1057 = arith.constant 0 : index
      %swap3A_1058 = vector.load %arg4[%swap3A_1056, %swap3A_1057] : memref<128x3968xf32, #tpu.memory_space<vmem>>, vector<1x3968xf32>
      %swap3A_1059 = vector.shape_cast %swap3A_1058 : vector<1x3968xf32> to vector<3968xf32>
      %swap3A_1060 = vector.shape_cast %get3A_1055 : vector<3968xf32> to vector<1x3968xf32>
      tpu.vector_store %arg4[%swap3A_1056, %swap3A_1057], %swap3A_1060 {strides = array<i32>} : memref<128x3968xf32, #tpu.memory_space<vmem>>, vector<1x3968xf32>,
      %get3A_1061 = arith.constant 0 : index
      %get3A_1062 = arith.constant 0 : index
      %get3A_1063 = arith.constant 22 : index
      %get3A_1064 = vector.load %arg2[%get3A_1061, %get3A_1062, %get3A_1063] : memref<1x1x4096xf32, #tpu.memory_space<vmem>>, vector<1x1x3968xf32>
      %get3A_1065 = vector.shape_cast %get3A_1064 : vector<1x1x3968xf32> to vector<3968xf32>
      %swap3A_1066 = arith.constant 105 : index
      %swap3A_1067 = arith.constant 0 : index
      %swap3A_1068 = vector.load %arg4[%swap3A_1066, %swap3A_1067] : memref<128x3968xf32, #tpu.memory_space<vmem>>, vector<1x3968xf32>
      %swap3A_1069 = vector.shape_cast %swap3A_1068 : vector<1x3968xf32> to vector<3968xf32>
      %swap3A_1070 = vector.shape_cast %get3A_1065 : vector<3968xf32> to vector<1x3968xf32>
      tpu.vector_store %arg4[%swap3A_1066, %swap3A_1067], %swap3A_1070 {strides = array<i32>} : memref<128x3968xf32, #tpu.memory_space<vmem>>, vector<1x3968xf32>,
      %get3A_1071 = arith.constant 0 : index
      %get3A_1072 = arith.constant 0 : index
      %get3A_1073 = arith.constant 21 : index
      %get3A_1074 = vector.load %arg2[%get3A_1071, %get3A_1072, %get3A_1073] : memref<1x1x4096xf32, #tpu.memory_space<vmem>>, vector<1x1x3968xf32>
      %get3A_1075 = vector.shape_cast %get3A_1074 : vector<1x1x3968xf32> to vector<3968xf32>
      %swap3A_1076 = arith.constant 106 : index
      %swap3A_1077 = arith.constant 0 : index
      %swap3A_1078 = vector.load %arg4[%swap3A_1076, %swap3A_1077] : memref<128x3968xf32, #tpu.memory_space<vmem>>, vector<1x3968xf32>
      %swap3A_1079 = vector.shape_cast %swap3A_1078 : vector<1x3968xf32> to vector<3968xf32>
      %swap3A_1080 = vector.shape_cast %get3A_1075 : vector<3968xf32> to vector<1x3968xf32>
      tpu.vector_store %arg4[%swap3A_1076, %swap3A_1077], %swap3A_1080 {strides = array<i32>} : memref<128x3968xf32, #tpu.memory_space<vmem>>, vector<1x3968xf32>,
      %get3A_1081 = arith.constant 0 : index
      %get3A_1082 = arith.constant 0 : index
      %get3A_1083 = arith.constant 20 : index
      %get3A_1084 = vector.load %arg2[%get3A_1081, %get3A_1082, %get3A_1083] : memref<1x1x4096xf32, #tpu.memory_space<vmem>>, vector<1x1x3968xf32>
      %get3A_1085 = vector.shape_cast %get3A_1084 : vector<1x1x3968xf32> to vector<3968xf32>
      %swap3A_1086 = arith.constant 107 : index
      %swap3A_1087 = arith.constant 0 : index
      %swap3A_1088 = vector.load %arg4[%swap3A_1086, %swap3A_1087] : memref<128x3968xf32, #tpu.memory_space<vmem>>, vector<1x3968xf32>
      %swap3A_1089 = vector.shape_cast %swap3A_1088 : vector<1x3968xf32> to vector<3968xf32>
      %swap3A_1090 = vector.shape_cast %get3A_1085 : vector<3968xf32> to vector<1x3968xf32>
      tpu.vector_store %arg4[%swap3A_1086, %swap3A_1087], %swap3A_1090 {strides = array<i32>} : memref<128x3968xf32, #tpu.memory_space<vmem>>, vector<1x3968xf32>,
      %get3A_1091 = arith.constant 0 : index
      %get3A_1092 = arith.constant 0 : index
      %get3A_1093 = arith.constant 19 : index
      %get3A_1094 = vector.load %arg2[%get3A_1091, %get3A_1092, %get3A_1093] : memref<1x1x4096xf32, #tpu.memory_space<vmem>>, vector<1x1x3968xf32>
      %get3A_1095 = vector.shape_cast %get3A_1094 : vector<1x1x3968xf32> to vector<3968xf32>
      %swap3A_1096 = arith.constant 108 : index
      %swap3A_1097 = arith.constant 0 : index
      %swap3A_1098 = vector.load %arg4[%swap3A_1096, %swap3A_1097] : memref<128x3968xf32, #tpu.memory_space<vmem>>, vector<1x3968xf32>
      %swap3A_1099 = vector.shape_cast %swap3A_1098 : vector<1x3968xf32> to vector<3968xf32>
      %swap3A_1100 = vector.shape_cast %get3A_1095 : vector<3968xf32> to vector<1x3968xf32>
      tpu.vector_store %arg4[%swap3A_1096, %swap3A_1097], %swap3A_1100 {strides = array<i32>} : memref<128x3968xf32, #tpu.memory_space<vmem>>, vector<1x3968xf32>,
      %get3A_1101 = arith.constant 0 : index
      %get3A_1102 = arith.constant 0 : index
      %get3A_1103 = arith.constant 18 : index
      %get3A_1104 = vector.load %arg2[%get3A_1101, %get3A_1102, %get3A_1103] : memref<1x1x4096xf32, #tpu.memory_space<vmem>>, vector<1x1x3968xf32>
      %get3A_1105 = vector.shape_cast %get3A_1104 : vector<1x1x3968xf32> to vector<3968xf32>
      %swap3A_1106 = arith.constant 109 : index
      %swap3A_1107 = arith.constant 0 : index
      %swap3A_1108 = vector.load %arg4[%swap3A_1106, %swap3A_1107] : memref<128x3968xf32, #tpu.memory_space<vmem>>, vector<1x3968xf32>
      %swap3A_1109 = vector.shape_cast %swap3A_1108 : vector<1x3968xf32> to vector<3968xf32>
      %swap3A_1110 = vector.shape_cast %get3A_1105 : vector<3968xf32> to vector<1x3968xf32>
      tpu.vector_store %arg4[%swap3A_1106, %swap3A_1107], %swap3A_1110 {strides = array<i32>} : memref<128x3968xf32, #tpu.memory_space<vmem>>, vector<1x3968xf32>,
      %get3A_1111 = arith.constant 0 : index
      %get3A_1112 = arith.constant 0 : index
      %get3A_1113 = arith.constant 17 : index
      %get3A_1114 = vector.load %arg2[%get3A_1111, %get3A_1112, %get3A_1113] : memref<1x1x4096xf32, #tpu.memory_space<vmem>>, vector<1x1x3968xf32>
      %get3A_1115 = vector.shape_cast %get3A_1114 : vector<1x1x3968xf32> to vector<3968xf32>
      %swap3A_1116 = arith.constant 110 : index
      %swap3A_1117 = arith.constant 0 : index
      %swap3A_1118 = vector.load %arg4[%swap3A_1116, %swap3A_1117] : memref<128x3968xf32, #tpu.memory_space<vmem>>, vector<1x3968xf32>
      %swap3A_1119 = vector.shape_cast %swap3A_1118 : vector<1x3968xf32> to vector<3968xf32>
      %swap3A_1120 = vector.shape_cast %get3A_1115 : vector<3968xf32> to vector<1x3968xf32>
      tpu.vector_store %arg4[%swap3A_1116, %swap3A_1117], %swap3A_1120 {strides = array<i32>} : memref<128x3968xf32, #tpu.memory_space<vmem>>, vector<1x3968xf32>,
      %get3A_1121 = arith.constant 0 : index
      %get3A_1122 = arith.constant 0 : index
      %get3A_1123 = arith.constant 16 : index
      %get3A_1124 = vector.load %arg2[%get3A_1121, %get3A_1122, %get3A_1123] : memref<1x1x4096xf32, #tpu.memory_space<vmem>>, vector<1x1x3968xf32>
      %get3A_1125 = vector.shape_cast %get3A_1124 : vector<1x1x3968xf32> to vector<3968xf32>
      %swap3A_1126 = arith.constant 111 : index
      %swap3A_1127 = arith.constant 0 : index
      %swap3A_1128 = vector.load %arg4[%swap3A_1126, %swap3A_1127] : memref<128x3968xf32, #tpu.memory_space<vmem>>, vector<1x3968xf32>
      %swap3A_1129 = vector.shape_cast %swap3A_1128 : vector<1x3968xf32> to vector<3968xf32>
      %swap3A_1130 = vector.shape_cast %get3A_1125 : vector<3968xf32> to vector<1x3968xf32>
      tpu.vector_store %arg4[%swap3A_1126, %swap3A_1127], %swap3A_1130 {strides = array<i32>} : memref<128x3968xf32, #tpu.memory_space<vmem>>, vector<1x3968xf32>,
      %get3A_1131 = arith.constant 0 : index
      %get3A_1132 = arith.constant 0 : index
      %get3A_1133 = arith.constant 15 : index
      %get3A_1134 = vector.load %arg2[%get3A_1131, %get3A_1132, %get3A_1133] : memref<1x1x4096xf32, #tpu.memory_space<vmem>>, vector<1x1x3968xf32>
      %get3A_1135 = vector.shape_cast %get3A_1134 : vector<1x1x3968xf32> to vector<3968xf32>
      %swap3A_1136 = arith.constant 112 : index
      %swap3A_1137 = arith.constant 0 : index
      %swap3A_1138 = vector.load %arg4[%swap3A_1136, %swap3A_1137] : memref<128x3968xf32, #tpu.memory_space<vmem>>, vector<1x3968xf32>
      %swap3A_1139 = vector.shape_cast %swap3A_1138 : vector<1x3968xf32> to vector<3968xf32>
      %swap3A_1140 = vector.shape_cast %get3A_1135 : vector<3968xf32> to vector<1x3968xf32>
      tpu.vector_store %arg4[%swap3A_1136, %swap3A_1137], %swap3A_1140 {strides = array<i32>} : memref<128x3968xf32, #tpu.memory_space<vmem>>, vector<1x3968xf32>,
      %get3A_1141 = arith.constant 0 : index
      %get3A_1142 = arith.constant 0 : index
      %get3A_1143 = arith.constant 14 : index
      %get3A_1144 = vector.load %arg2[%get3A_1141, %get3A_1142, %get3A_1143] : memref<1x1x4096xf32, #tpu.memory_space<vmem>>, vector<1x1x3968xf32>
      %get3A_1145 = vector.shape_cast %get3A_1144 : vector<1x1x3968xf32> to vector<3968xf32>
      %swap3A_1146 = arith.constant 113 : index
      %swap3A_1147 = arith.constant 0 : index
      %swap3A_1148 = vector.load %arg4[%swap3A_1146, %swap3A_1147] : memref<128x3968xf32, #tpu.memory_space<vmem>>, vector<1x3968xf32>
      %swap3A_1149 = vector.shape_cast %swap3A_1148 : vector<1x3968xf32> to vector<3968xf32>
      %swap3A_1150 = vector.shape_cast %get3A_1145 : vector<3968xf32> to vector<1x3968xf32>
      tpu.vector_store %arg4[%swap3A_1146, %swap3A_1147], %swap3A_1150 {strides = array<i32>} : memref<128x3968xf32, #tpu.memory_space<vmem>>, vector<1x3968xf32>,
      %get3A_1151 = arith.constant 0 : index
      %get3A_1152 = arith.constant 0 : index
      %get3A_1153 = arith.constant 13 : index
      %get3A_1154 = vector.load %arg2[%get3A_1151, %get3A_1152, %get3A_1153] : memref<1x1x4096xf32, #tpu.memory_space<vmem>>, vector<1x1x3968xf32>
      %get3A_1155 = vector.shape_cast %get3A_1154 : vector<1x1x3968xf32> to vector<3968xf32>
      %swap3A_1156 = arith.constant 114 : index
      %swap3A_1157 = arith.constant 0 : index
      %swap3A_1158 = vector.load %arg4[%swap3A_1156, %swap3A_1157] : memref<128x3968xf32, #tpu.memory_space<vmem>>, vector<1x3968xf32>
      %swap3A_1159 = vector.shape_cast %swap3A_1158 : vector<1x3968xf32> to vector<3968xf32>
      %swap3A_1160 = vector.shape_cast %get3A_1155 : vector<3968xf32> to vector<1x3968xf32>
      tpu.vector_store %arg4[%swap3A_1156, %swap3A_1157], %swap3A_1160 {strides = array<i32>} : memref<128x3968xf32, #tpu.memory_space<vmem>>, vector<1x3968xf32>,
      %get3A_1161 = arith.constant 0 : index
      %get3A_1162 = arith.constant 0 : index
      %get3A_1163 = arith.constant 12 : index
      %get3A_1164 = vector.load %arg2[%get3A_1161, %get3A_1162, %get3A_1163] : memref<1x1x4096xf32, #tpu.memory_space<vmem>>, vector<1x1x3968xf32>
      %get3A_1165 = vector.shape_cast %get3A_1164 : vector<1x1x3968xf32> to vector<3968xf32>
      %swap3A_1166 = arith.constant 115 : index
      %swap3A_1167 = arith.constant 0 : index
      %swap3A_1168 = vector.load %arg4[%swap3A_1166, %swap3A_1167] : memref<128x3968xf32, #tpu.memory_space<vmem>>, vector<1x3968xf32>
      %swap3A_1169 = vector.shape_cast %swap3A_1168 : vector<1x3968xf32> to vector<3968xf32>
      %swap3A_1170 = vector.shape_cast %get3A_1165 : vector<3968xf32> to vector<1x3968xf32>
      tpu.vector_store %arg4[%swap3A_1166, %swap3A_1167], %swap3A_1170 {strides = array<i32>} : memref<128x3968xf32, #tpu.memory_space<vmem>>, vector<1x3968xf32>,
      %get3A_1171 = arith.constant 0 : index
      %get3A_1172 = arith.constant 0 : index
      %get3A_1173 = arith.constant 11 : index
      %get3A_1174 = vector.load %arg2[%get3A_1171, %get3A_1172, %get3A_1173] : memref<1x1x4096xf32, #tpu.memory_space<vmem>>, vector<1x1x3968xf32>
      %get3A_1175 = vector.shape_cast %get3A_1174 : vector<1x1x3968xf32> to vector<3968xf32>
      %swap3A_1176 = arith.constant 116 : index
      %swap3A_1177 = arith.constant 0 : index
      %swap3A_1178 = vector.load %arg4[%swap3A_1176, %swap3A_1177] : memref<128x3968xf32, #tpu.memory_space<vmem>>, vector<1x3968xf32>
      %swap3A_1179 = vector.shape_cast %swap3A_1178 : vector<1x3968xf32> to vector<3968xf32>
      %swap3A_1180 = vector.shape_cast %get3A_1175 : vector<3968xf32> to vector<1x3968xf32>
      tpu.vector_store %arg4[%swap3A_1176, %swap3A_1177], %swap3A_1180 {strides = array<i32>} : memref<128x3968xf32, #tpu.memory_space<vmem>>, vector<1x3968xf32>,
      %get3A_1181 = arith.constant 0 : index
      %get3A_1182 = arith.constant 0 : index
      %get3A_1183 = arith.constant 10 : index
      %get3A_1184 = vector.load %arg2[%get3A_1181, %get3A_1182, %get3A_1183] : memref<1x1x4096xf32, #tpu.memory_space<vmem>>, vector<1x1x3968xf32>
      %get3A_1185 = vector.shape_cast %get3A_1184 : vector<1x1x3968xf32> to vector<3968xf32>
      %swap3A_1186 = arith.constant 117 : index
      %swap3A_1187 = arith.constant 0 : index
      %swap3A_1188 = vector.load %arg4[%swap3A_1186, %swap3A_1187] : memref<128x3968xf32, #tpu.memory_space<vmem>>, vector<1x3968xf32>
      %swap3A_1189 = vector.shape_cast %swap3A_1188 : vector<1x3968xf32> to vector<3968xf32>
      %swap3A_1190 = vector.shape_cast %get3A_1185 : vector<3968xf32> to vector<1x3968xf32>
      tpu.vector_store %arg4[%swap3A_1186, %swap3A_1187], %swap3A_1190 {strides = array<i32>} : memref<128x3968xf32, #tpu.memory_space<vmem>>, vector<1x3968xf32>,
      %get3A_1191 = arith.constant 0 : index
      %get3A_1192 = arith.constant 0 : index
      %get3A_1193 = arith.constant 9 : index
      %get3A_1194 = vector.load %arg2[%get3A_1191, %get3A_1192, %get3A_1193] : memref<1x1x4096xf32, #tpu.memory_space<vmem>>, vector<1x1x3968xf32>
      %get3A_1195 = vector.shape_cast %get3A_1194 : vector<1x1x3968xf32> to vector<3968xf32>
      %swap3A_1196 = arith.constant 118 : index
      %swap3A_1197 = arith.constant 0 : index
      %swap3A_1198 = vector.load %arg4[%swap3A_1196, %swap3A_1197] : memref<128x3968xf32, #tpu.memory_space<vmem>>, vector<1x3968xf32>
      %swap3A_1199 = vector.shape_cast %swap3A_1198 : vector<1x3968xf32> to vector<3968xf32>
      %swap3A_1200 = vector.shape_cast %get3A_1195 : vector<3968xf32> to vector<1x3968xf32>
      tpu.vector_store %arg4[%swap3A_1196, %swap3A_1197], %swap3A_1200 {strides = array<i32>} : memref<128x3968xf32, #tpu.memory_space<vmem>>, vector<1x3968xf32>,
      %get3A_1201 = arith.constant 0 : index
      %get3A_1202 = arith.constant 0 : index
      %get3A_1203 = arith.constant 8 : index
      %get3A_1204 = vector.load %arg2[%get3A_1201, %get3A_1202, %get3A_1203] : memref<1x1x4096xf32, #tpu.memory_space<vmem>>, vector<1x1x3968xf32>
      %get3A_1205 = vector.shape_cast %get3A_1204 : vector<1x1x3968xf32> to vector<3968xf32>
      %swap3A_1206 = arith.constant 119 : index
      %swap3A_1207 = arith.constant 0 : index
      %swap3A_1208 = vector.load %arg4[%swap3A_1206, %swap3A_1207] : memref<128x3968xf32, #tpu.memory_space<vmem>>, vector<1x3968xf32>
      %swap3A_1209 = vector.shape_cast %swap3A_1208 : vector<1x3968xf32> to vector<3968xf32>
      %swap3A_1210 = vector.shape_cast %get3A_1205 : vector<3968xf32> to vector<1x3968xf32>
      tpu.vector_store %arg4[%swap3A_1206, %swap3A_1207], %swap3A_1210 {strides = array<i32>} : memref<128x3968xf32, #tpu.memory_space<vmem>>, vector<1x3968xf32>,
      %get3A_1211 = arith.constant 0 : index
      %get3A_1212 = arith.constant 0 : index
      %get3A_1213 = arith.constant 7 : index
      %get3A_1214 = vector.load %arg2[%get3A_1211, %get3A_1212, %get3A_1213] : memref<1x1x4096xf32, #tpu.memory_space<vmem>>, vector<1x1x3968xf32>
      %get3A_1215 = vector.shape_cast %get3A_1214 : vector<1x1x3968xf32> to vector<3968xf32>
      %swap3A_1216 = arith.constant 120 : index
      %swap3A_1217 = arith.constant 0 : index
      %swap3A_1218 = vector.load %arg4[%swap3A_1216, %swap3A_1217] : memref<128x3968xf32, #tpu.memory_space<vmem>>, vector<1x3968xf32>
      %swap3A_1219 = vector.shape_cast %swap3A_1218 : vector<1x3968xf32> to vector<3968xf32>
      %swap3A_1220 = vector.shape_cast %get3A_1215 : vector<3968xf32> to vector<1x3968xf32>
      tpu.vector_store %arg4[%swap3A_1216, %swap3A_1217], %swap3A_1220 {strides = array<i32>} : memref<128x3968xf32, #tpu.memory_space<vmem>>, vector<1x3968xf32>,
      %get3A_1221 = arith.constant 0 : index
      %get3A_1222 = arith.constant 0 : index
      %get3A_1223 = arith.constant 6 : index
      %get3A_1224 = vector.load %arg2[%get3A_1221, %get3A_1222, %get3A_1223] : memref<1x1x4096xf32, #tpu.memory_space<vmem>>, vector<1x1x3968xf32>
      %get3A_1225 = vector.shape_cast %get3A_1224 : vector<1x1x3968xf32> to vector<3968xf32>
      %swap3A_1226 = arith.constant 121 : index
      %swap3A_1227 = arith.constant 0 : index
      %swap3A_1228 = vector.load %arg4[%swap3A_1226, %swap3A_1227] : memref<128x3968xf32, #tpu.memory_space<vmem>>, vector<1x3968xf32>
      %swap3A_1229 = vector.shape_cast %swap3A_1228 : vector<1x3968xf32> to vector<3968xf32>
      %swap3A_1230 = vector.shape_cast %get3A_1225 : vector<3968xf32> to vector<1x3968xf32>
      tpu.vector_store %arg4[%swap3A_1226, %swap3A_1227], %swap3A_1230 {strides = array<i32>} : memref<128x3968xf32, #tpu.memory_space<vmem>>, vector<1x3968xf32>,
      %get3A_1231 = arith.constant 0 : index
      %get3A_1232 = arith.constant 0 : index
      %get3A_1233 = arith.constant 5 : index
      %get3A_1234 = vector.load %arg2[%get3A_1231, %get3A_1232, %get3A_1233] : memref<1x1x4096xf32, #tpu.memory_space<vmem>>, vector<1x1x3968xf32>
      %get3A_1235 = vector.shape_cast %get3A_1234 : vector<1x1x3968xf32> to vector<3968xf32>
      %swap3A_1236 = arith.constant 122 : index
      %swap3A_1237 = arith.constant 0 : index
      %swap3A_1238 = vector.load %arg4[%swap3A_1236, %swap3A_1237] : memref<128x3968xf32, #tpu.memory_space<vmem>>, vector<1x3968xf32>
      %swap3A_1239 = vector.shape_cast %swap3A_1238 : vector<1x3968xf32> to vector<3968xf32>
      %swap3A_1240 = vector.shape_cast %get3A_1235 : vector<3968xf32> to vector<1x3968xf32>
      tpu.vector_store %arg4[%swap3A_1236, %swap3A_1237], %swap3A_1240 {strides = array<i32>} : memref<128x3968xf32, #tpu.memory_space<vmem>>, vector<1x3968xf32>,
      %get3A_1241 = arith.constant 0 : index
      %get3A_1242 = arith.constant 0 : index
      %get3A_1243 = arith.constant 4 : index
      %get3A_1244 = vector.load %arg2[%get3A_1241, %get3A_1242, %get3A_1243] : memref<1x1x4096xf32, #tpu.memory_space<vmem>>, vector<1x1x3968xf32>
      %get3A_1245 = vector.shape_cast %get3A_1244 : vector<1x1x3968xf32> to vector<3968xf32>
      %swap3A_1246 = arith.constant 123 : index
      %swap3A_1247 = arith.constant 0 : index
      %swap3A_1248 = vector.load %arg4[%swap3A_1246, %swap3A_1247] : memref<128x3968xf32, #tpu.memory_space<vmem>>, vector<1x3968xf32>
      %swap3A_1249 = vector.shape_cast %swap3A_1248 : vector<1x3968xf32> to vector<3968xf32>
      %swap3A_1250 = vector.shape_cast %get3A_1245 : vector<3968xf32> to vector<1x3968xf32>
      tpu.vector_store %arg4[%swap3A_1246, %swap3A_1247], %swap3A_1250 {strides = array<i32>} : memref<128x3968xf32, #tpu.memory_space<vmem>>, vector<1x3968xf32>,
      %get3A_1251 = arith.constant 0 : index
      %get3A_1252 = arith.constant 0 : index
      %get3A_1253 = arith.constant 3 : index
      %get3A_1254 = vector.load %arg2[%get3A_1251, %get3A_1252, %get3A_1253] : memref<1x1x4096xf32, #tpu.memory_space<vmem>>, vector<1x1x3968xf32>
      %get3A_1255 = vector.shape_cast %get3A_1254 : vector<1x1x3968xf32> to vector<3968xf32>
      %swap3A_1256 = arith.constant 124 : index
      %swap3A_1257 = arith.constant 0 : index
      %swap3A_1258 = vector.load %arg4[%swap3A_1256, %swap3A_1257] : memref<128x3968xf32, #tpu.memory_space<vmem>>, vector<1x3968xf32>
      %swap3A_1259 = vector.shape_cast %swap3A_1258 : vector<1x3968xf32> to vector<3968xf32>
      %swap3A_1260 = vector.shape_cast %get3A_1255 : vector<3968xf32> to vector<1x3968xf32>
      tpu.vector_store %arg4[%swap3A_1256, %swap3A_1257], %swap3A_1260 {strides = array<i32>} : memref<128x3968xf32, #tpu.memory_space<vmem>>, vector<1x3968xf32>,
      %get3A_1261 = arith.constant 0 : index
      %get3A_1262 = arith.constant 0 : index
      %get3A_1263 = arith.constant 2 : index
      %get3A_1264 = vector.load %arg2[%get3A_1261, %get3A_1262, %get3A_1263] : memref<1x1x4096xf32, #tpu.memory_space<vmem>>, vector<1x1x3968xf32>
      %get3A_1265 = vector.shape_cast %get3A_1264 : vector<1x1x3968xf32> to vector<3968xf32>
      %swap3A_1266 = arith.constant 125 : index
      %swap3A_1267 = arith.constant 0 : index
      %swap3A_1268 = vector.load %arg4[%swap3A_1266, %swap3A_1267] : memref<128x3968xf32, #tpu.memory_space<vmem>>, vector<1x3968xf32>
      %swap3A_1269 = vector.shape_cast %swap3A_1268 : vector<1x3968xf32> to vector<3968xf32>
      %swap3A_1270 = vector.shape_cast %get3A_1265 : vector<3968xf32> to vector<1x3968xf32>
      tpu.vector_store %arg4[%swap3A_1266, %swap3A_1267], %swap3A_1270 {strides = array<i32>} : memref<128x3968xf32, #tpu.memory_space<vmem>>, vector<1x3968xf32>,
      %get3A_1271 = arith.constant 0 : index
      %get3A_1272 = arith.constant 0 : index
      %get3A_1273 = arith.constant 1 : index
      %get3A_1274 = vector.load %arg2[%get3A_1271, %get3A_1272, %get3A_1273] : memref<1x1x4096xf32, #tpu.memory_space<vmem>>, vector<1x1x3968xf32>
      %get3A_1275 = vector.shape_cast %get3A_1274 : vector<1x1x3968xf32> to vector<3968xf32>
      %swap3A_1276 = arith.constant 126 : index
      %swap3A_1277 = arith.constant 0 : index
      %swap3A_1278 = vector.load %arg4[%swap3A_1276, %swap3A_1277] : memref<128x3968xf32, #tpu.memory_space<vmem>>, vector<1x3968xf32>
      %swap3A_1279 = vector.shape_cast %swap3A_1278 : vector<1x3968xf32> to vector<3968xf32>
      %swap3A_1280 = vector.shape_cast %get3A_1275 : vector<3968xf32> to vector<1x3968xf32>
      tpu.vector_store %arg4[%swap3A_1276, %swap3A_1277], %swap3A_1280 {strides = array<i32>} : memref<128x3968xf32, #tpu.memory_space<vmem>>, vector<1x3968xf32>,
      %get3A_1281 = arith.constant 0 : index
      %get3A_1282 = arith.constant 0 : index
      %get3A_1283 = arith.constant 0 : index
      %get3A_1284 = vector.load %arg2[%get3A_1281, %get3A_1282, %get3A_1283] : memref<1x1x4096xf32, #tpu.memory_space<vmem>>, vector<1x1x3968xf32>
      %get3A_1285 = vector.shape_cast %get3A_1284 : vector<1x1x3968xf32> to vector<3968xf32>
      %swap3A_1286 = arith.constant 127 : index
      %swap3A_1287 = arith.constant 0 : index
      %swap3A_1288 = vector.load %arg4[%swap3A_1286, %swap3A_1287] : memref<128x3968xf32, #tpu.memory_space<vmem>>, vector<1x3968xf32>
      %swap3A_1289 = vector.shape_cast %swap3A_1288 : vector<1x3968xf32> to vector<3968xf32>
      %swap3A_1290 = vector.shape_cast %get3A_1285 : vector<3968xf32> to vector<1x3968xf32>
      tpu.vector_store %arg4[%swap3A_1286, %swap3A_1287], %swap3A_1290 {strides = array<i32>} : memref<128x3968xf32, #tpu.memory_space<vmem>>, vector<1x3968xf32>,
    } else {
    }
    %sub3A = arith.constant 15 : i32
    %sub3A_2 = arith.subi %sub3A, %arg1 : i32
    %mul3A = arith.constant 128 : i32
    %mul3A_3 = arith.muli %sub3A_2, %mul3A : i32
    %multiple_of3A = tpu.assume_multiple %mul3A_3, 128 : i32
    %get3A = arith.constant 0 : index
    %get3A_4 = arith.index_cast %multiple_of3A : i32 to index
    %get3A_5 = vector.load %arg4[%get3A, %get3A_4] : memref<128x3968xf32, #tpu.memory_space<vmem>>, vector<128x2048xf32>
    %swap3A = arith.constant 0 : index
    %swap3A_6 = arith.constant 0 : index
    %swap3A_7 = arith.constant 0 : index
    %swap3A_8 = vector.load %arg3[%swap3A, %swap3A_6, %swap3A_7] : memref<1x128x2048xf32, #tpu.memory_space<vmem>>, vector<1x128x2048xf32>
    %swap3A_9 = vector.shape_cast %swap3A_8 : vector<1x128x2048xf32> to vector<128x2048xf32>
    %swap3A_10 = vector.shape_cast %get3A_5 : vector<128x2048xf32> to vector<1x128x2048xf32>
    tpu.vector_store %arg3[%swap3A, %swap3A_6, %swap3A_7], %swap3A_10 {strides = array<i32>} : memref<1x128x2048xf32, #tpu.memory_space<vmem>>, vector<1x128x2048xf32>,
    return
  }
  func.func @transform_0(%arg0: i32, %arg1: i32) -> (i32, i32, i32) {
    %c0_i32 = arith.constant 0 : i32
    %c0_i32_0 = arith.constant 0 : i32
    %c0_i32_1 = arith.constant 0 : i32
    return %arg0, %c0_i32, %c0_i32_0 : i32, i32, i32
  }
  func.func @transform_1(%arg0: i32, %arg1: i32) -> (i32, i32, i32) {
    %c0_i32 = arith.constant 0 : i32
    %c0_i32_0 = arith.constant 0 : i32
    return %arg0, %arg1, %c0_i32 : i32, i32, i32
  }
}

</mosaic_0001>

<sc_bundles>
// kernel: kernel.4.cloned.1.call-start
scs
__scs_entry_jumppad:
0x0: {  	(pc) =	sbr.rel $0x88, $3  }
0x1: {  	(tag) =	ssettag $0x0;
	lr =	simm.s32 $0x1  }
0x2: {  	[smem:$0x3FA0] =	sst lr;
	_ =	strace $0xD0000000  }
0x3: {  	_ = 	snop  }
0x4: {  	_ = 	snop  }
0x5: {  	_ = 	snop  }
0x6: {  	_ = 	snop  }
0x7: {  	_ = 	snop  }
__scs_overlays_trampoline_lowered:
0x8: {  	[smem:$0x3FAF] =	sst s0  }
0x9: {  	[smem:$0x3FB0] =	sst s1  }
0xa: {  	[smem:$0x3FB1] =	sst s2  }
0xb: {  	[smem:$0x3FB2] =	sst s3  }
0xc: {  	[smem:$0x3FB3] =	sst s4  }
0xd: {  	[smem:$0x3FB4] =	sst s5  }
0xe: {  	[smem:$0x3FB5] =	sst s6  }
0xf: {  	[smem:$0x3FB6] =	sst s7  }
0x10: {  	[smem:$0x3FB7] =	sst s8  }
0x11: {  	[smem:$0x3FB8] =	sst s9;
	s0 =	simm.s32 @!p0 $0x0  }
0x12: {  	s1 =	sld [smem:$0x3F9E];
	s0 =	simm.s32 @p0 $0x1  }
0x13: {  	[smem:$0x3FB9] =	sst s0;
	s0 =	simm.s32 @!p1 $0x0  }
0x14: {  	s2 =	sld [smem:$0x3F9D];
	s0 =	simm.s32 @p1 $0x1  }
0x15: {  	[smem:$0x3FBA] =	sst s0;
	s0 =	simm.s32 @!p2 $0x0  }
0x16: {  	s3 =	sld [smem:$0x3FDB];
	s0 =	simm.s32 @p2 $0x1  }
0x17: {  	s4 =	simm.s32 $0x1BF5;
	[smem:$0x3FBC] =	sst s0  }
0x18: {  	s0 =	sld [smem:$0x3F9F];
	_ =	swait.ge [sflag:s4], $0x0  }
0x19: {  	s7 =	sld [smem:$0x3FA0]  }
0x1a: {  	s8 =	sadd.s32 $0xFFFFE003, lr  }
0x1b: {  	s9 =	sadd.s32 $0xFFFFFEF7, lr;
	s5 =	simm.s32 $0xFFFFFFFF;
	p2 =	slt.u32 s8, $0xFFFFF086  }
0x1c: {  	p1 =	slt.u32 s9, $0xF7A;
	s5 =	simm.s32 @!p2 $0x0  }
0x1d: {  	s5 =	simm.s32 @p1 $0x1;
	p0 =	seq.s32 s7, s2  }
0x1e: {  	s7 =	smul.u32 @!p0 $0xF7A, s2;
	p2 =	seq.s32 @!p0 s5, $0x0  }
0x1f: {  	s9 =	smul.u32 $0xF7A, s1;
	s8 =	simm.s32 @!p0 $0x1BF5;
	p2 =	por !p2, p0  }
0x20: {  	[sflag:s8] =	ssyncset.s32 @!p0 $0xFFFFF086;
	s6 =	sadd.s32 @!p0 s3, s7;
	s7 =	simm.s32 @!p0 $0x108  }
0x21: {  	s3 =	sadd.s32 s3, s9;
	s6 =	sadd.s32 @!p0 $0x88, s6;
	s7 =	simm.s32 @p2 $0x1082  }
0x22: {  	[simem:s7], [sflag:s8] =	dma.local @!p0 [hbm:s6], $0xF7A  }
0x23: {  	s9 =	sor.u32 $0xD0000000, s2;
	s6 =	simm.s32 $0x108;
	_ =	swait.ge @!p0 [sflag:s8], $0x0  }
0x24: {  	s3 =	sadd.s32 $0x88, s3;
	s6 =	simm.s32 @!p1 $0x1082;
	[sflag:s4] =	ssyncset.s32 $0xFFFFF086  }
0x25: {  	[simem:s6], [sflag:s4] =	dma.local [hbm:s3], $0xF7A  }
0x26: {  	[smem:$0x3FA0] =	sst s1;
	(tag) =	ssettag s2;
	_ =	strace s9  }
0x27: {  	s1 =	sld [smem:$0x3FB0]  }
0x28: {  	s2 =	sld [smem:$0x3FB1]  }
0x29: {  	s4 =	sld [smem:$0x3FB3]  }
0x2a: {  	p0 =	seq.s32 s5, $0x0;
	s5 =	sld [smem:$0x3FB4]  }
0x2b: {  	s6 =	sld [smem:$0x3FB5]  }
0x2c: {  	s7 =	sld [smem:$0x3FB6]  }
0x2d: {  	s3 =	simm.s32 $0x108;
	s8 =	sld [smem:$0x3FB7]  }
0x2e: {  	s3 =	simm.s32 @!p0 $0x1082;
	s9 =	sld [smem:$0x3FB8]  }
0x2f: {  	lr =	sadd.s32 s0, s3;
	s0 =	sld [smem:$0x3FAF]  }
0x30: {  	s3 =	sld [smem:$0x3FB2]  }
0x31: {  	[smem:$0x3FBB] =	sst s10  }
0x32: {  	s10 =	sld [smem:$0x3FB9];
	_ =	sdelay $0x3  }
0x33: {  	p0 =	seq.s32 s10, $0x1;
	s10 =	sld [smem:$0x3FBB];
	_ =	sdelay $0x3  }
0x34: {  	[smem:$0x3FBB] =	sst s10  }
0x35: {  	s10 =	sld [smem:$0x3FBA];
	_ =	sdelay $0x3  }
0x36: {  	p1 =	seq.s32 s10, $0x1;
	s10 =	sld [smem:$0x3FBB];
	_ =	sdelay $0x3  }
0x37: {  	[smem:$0x3FBB] =	sst s10  }
0x38: {  	s10 =	sld [smem:$0x3FBC]  }
0x39: {  	_ = 	snop;
	(pc) =	sbr.ind lr, $3  }
0x3a: {  	_ = 	snop  }
0x3b: {  	_ = 	snop  }
0x3c: {  	p2 =	seq.s32 s10, $0x1;
	s10 =	sld [smem:$0x3FBB]  }
0x3d: {  	_ =	shalt  }
0x3e: {  	_ =	shalt  }
0x3f: {  	_ =	shalt  }
0x40: {  	_ =	shalt  }
0x41: {  	_ =	shalt  }
0x42: {  	_ =	shalt  }
0x43: {  	_ =	shalt  }
0x44: {  	_ =	shalt  }
0x45: {  	_ =	shalt  }
0x46: {  	_ =	shalt  }
0x47: {  	_ =	shalt  }
0x48: {  	_ =	shalt  }
0x49: {  	_ =	shalt  }
0x4a: {  	_ =	shalt  }
0x4b: {  	_ =	shalt  }
0x4c: {  	_ =	shalt  }
0x4d: {  	_ =	shalt  }
0x4e: {  	_ =	shalt  }
0x4f: {  	_ =	shalt  }
0x50: {  	_ =	shalt  }
0x51: {  	_ =	shalt  }
0x52: {  	_ =	shalt  }
0x53: {  	_ =	shalt  }
0x54: {  	_ =	shalt  }
0x55: {  	_ =	shalt  }
0x56: {  	_ =	shalt  }
0x57: {  	_ =	shalt  }
0x58: {  	_ =	shalt  }
0x59: {  	_ =	shalt  }
0x5a: {  	_ =	shalt  }
0x5b: {  	_ =	shalt  }
0x5c: {  	_ =	shalt  }
0x5d: {  	_ =	shalt  }
0x5e: {  	_ =	shalt  }
0x5f: {  	_ =	shalt  }
0x60: {  	_ =	shalt  }
0x61: {  	_ =	shalt  }
0x62: {  	_ =	shalt  }
0x63: {  	_ =	shalt  }
0x64: {  	_ =	shalt  }
0x65: {  	_ =	shalt  }
0x66: {  	_ =	shalt  }
0x67: {  	_ =	shalt  }
0x68: {  	_ =	shalt  }
0x69: {  	_ =	shalt  }
0x6a: {  	_ =	shalt  }
0x6b: {  	_ =	shalt  }
0x6c: {  	_ =	shalt  }
0x6d: {  	_ =	shalt  }
0x6e: {  	_ =	shalt  }
0x6f: {  	_ =	shalt  }
0x70: {  	_ =	shalt  }
0x71: {  	_ =	shalt  }
0x72: {  	_ =	shalt  }
0x73: {  	_ =	shalt  }
0x74: {  	_ =	shalt  }
0x75: {  	_ =	shalt  }
0x76: {  	_ =	shalt  }
0x77: {  	_ =	shalt  }
0x78: {  	_ =	shalt  }
0x79: {  	_ =	shalt  }
0x7a: {  	_ =	shalt  }
0x7b: {  	_ =	shalt  }
0x7c: {  	_ =	shalt  }
0x7d: {  	_ =	shalt  }
0x7e: {  	_ =	shalt  }
0x7f: {  	_ =	shalt  }
0x80: {  	_ =	shalt  }
0x81: {  	_ =	shalt  }
0x82: {  	_ =	shalt  }
0x83: {  	_ =	shalt  }
0x84: {  	_ =	shalt  }
0x85: {  	_ =	shalt  }
0x86: {  	_ =	shalt  }
0x87: {  	_ =	shalt  }
.Lfunc_end0:
.L_simem_size_0:
called_computation_lowered:
.L_overlay_start_0:
0x88: {  	s2 =	sld [smem:$0x3FD9]  }
0x89: {  	s3 =	sld [smem:$0x3FFE];
	_ =	sdelay $0x1  }
0x8a: {  	s1 =	srdreg.scid  }
0x8b: {  	s0 =	sand.u32 $0x1, s1  }
0x8c: {  	s17 =	sshll.u32 s0, $0xA;
	s2 =	sadd.s32 s3, s2  }
0x8d: {  	s2 =	sadd.s32 s2, s17  }
0x8e: {  	[smem:$0x3FC7] =	sst s2  }
0x8f: {  	_ = 	snop  }
0x90: {  	s2 =	sld [smem:$0x3FD0];
	(tm) =	ssettm $0x1  }
0x91: {  	s18 =	sld [smem:$0x3FFB];
	_ =	sdelay $0x3  }
0x92: {  	_ =	strace s18  }
0x93: {  	s3 =	sld [smem:$0x3FFC];
	_ =	sdelay $0x3  }
0x94: {  	_ =	strace s3  }
0x95: {  	s3 =	sld [smem:$0x3FFD];
	_ =	sdelay $0x3  }
0x96: {  	_ =	strace s3  }
0x97: {  	_ =	strace $0x8FFFFFFF  }
0x98: {  	s19 =	sld [smem:$0x3FDB];
	_ =	sdelay $0x1  }
0x99: {  	s4 =	simm.s32 $_scs_section_size  }
0x9a: {  	s5 =	simm.s32 $_size__tile_overlayer_lowered;
	s6 =	simm.s32 $_tile_overlayer_lowered  }
0x9b: {  	s22 =	simm.s32 $0x1BFF;
	s21 =	sshll.u32 s6, $0x1;
	s3 =	sadd.s32 s4, s19  }
0x9c: {  	s7 =	simm.s32 $0x0;
	s20 =	sshll.u32 s5, $0x1;
	s5 =	sadd.s32 s21, s3  }
0x9d: {  	[timem:s7], [sflag:s22] =	dma.local [hbm:s5], s20  }
0x9e: {  	_ =	swait.ge [sflag:s22], s20  }
0x9f: {  	s4 =	ssub.s32 $0x0, s20;
	[sflag:s22] =	ssyncset.done $0x0  }
0xa0: {  	[sflag:s22] =	ssyncadd.s32 s4;
	_ =	sdelay $0x1  }
0xa1: {  	s23 =	simm.s32 $0x1B8B  }
0xa2: {  	_ =	swait.ge [sflag:s23], $0x1  }
0xa3: {  	[sflag:s23] =	ssyncset.done $0x0  }
0xa4: {  	s25 =	simm.s32 $0x1B8E;
	s24 =	sld [smem:$0x3FFE];
	[sflag:s23] =	ssyncadd.s32 $0xFFFFFFFF  }
0xa5: {  	s26 =	simm.s32 $execute0_lowered;
	[smem:$0x3FD2] =	sst s25  }
0xa6: {  	s5 =	sshll.u32 s26, $0x1;
	_ =	strace $0x80000046;
	[dreg:$0x1] =	wrdreg $0xFFFFFFFF  }
0xa7: {  	s28 =	simm.s32 $_size_execute0_lowered;
	s3 =	sadd.s32 s3, s5;
	[dreg:$0x0] =	wrdreg $0x0  }
0xa8: {  	s5 =	sshll.u32 s28, $0x1;
	[dreg:$0x2] =	wrdreg s3  }
0xa9: {  	[dreg:$0x3] =	wrdreg s5  }
0xaa: {  	[dreg:$0x4] =	wrdreg $0xC0  }
0xab: {  	_ =	task [dreg:s7], $0x5FFFF  }
0xac: {  	[dreg:$0x1] =	wrdreg $0xFFFFFFFF  }
0xad: {  	[dreg:$0x0] =	wrdreg $0x60  }
0xae: {  	[dreg:$0x2] =	wrdreg s24  }
0xaf: {  	[dreg:$0x3] =	wrdreg s2  }
0xb0: {  	[dreg:$0x4] =	wrdreg $0x9  }
0xb1: {  	_ =	task.clear_ibuf [dreg:s7], $0x5FFFF;
	_ =	strace $0x90000046  }
0xb2: {  	s29 =	simm.s32 $0x9;
	_ =	strace $0x80000048  }
0xb3: {  	_ =	swait.ge [sflag:s29], $0x1  }
0xb4: {  	[sflag:s29] =	ssyncadd.s32 $0xFFFFFFFF  }
0xb5: {  	_ =	strace $0x90000048  }
0xb6: {  	_ =	sfence  }
0xb7: {  	s30 =	sld [smem:$0x0];
	_ =	sdelay $0x2  }
0xb8: {  	s31 =	sshll.u32 s1, $0xD;
	s1 =	sshrl.u32 s1, $0x2  }
0xb9: {  	s3 =	sand.u32 $0x4000, s31;
	s1 =	sadd.s32 s1, s30  }
0xba: {  	s0 =	sor.u32 s3, s0;
	s1 =	sshll.u32 s1, $0x11  }
0xbb: {  	s0 =	sor.u32 s1, s0  }
0xbc: {  	s0 =	sadd.s32 $0x8F2B, s0  }
0xbd: {  	[sflag:s0] =	ssyncadd.remote.s32 $0x1  }
0xbe: {  	_ =	sfence.sel $0xFFFF  }
0xbf: {  	[dreg:$0x0] =	wrdreg $0xFFFFFFFF;
	(pc) =	sbr.abs _section_cstart, $3  }
0xc0: {  	[dreg:$0x1] =	wrdreg $0xFFFFFFFF  }
0xc1: {  	_ =	task.clear_ibuf [dreg:s7], $0x2FFFF;
	_ =	strace $0x9FFFFFFF  }
0xc2: {  	(tm) =	ssettm $0x7FFFFFFF  }
0xc3: {  	_ =	shalt  }
tec
execute0_lowered:
.L_overlay_start_1:
0x0: {  	(tag) =	ssettag $0x1  }
0x1: {  	s1 =	srdreg.scid;
	s0 =	stileid.u32  }
0x2: {  	s5 =	sand.u32 $0x1, s1;
	s30 =	sshll.u32 s0, $0x1  }
0x3: {  	s4 =	sor.u32 s5, s30  }
0x4: {  	s3 =	rddreg [dreg:$0x0];
	p1 =	seq.s32 s5, $0x1;
	p0 =	seq.s32 s4, $0x0  }
0x5: {  	s6 =	rddreg [dreg:$0x1];
	s2 =	simm.s32 $0x0;
	p0 =	por !p0, !p1  }
0x6: {  	s7 =	simm.s32 $0x1;
	s1 =	rddreg [dreg:$0x2];
	p0 =	por !p0, !p0  }
0x7: {  	[smem:$0x7FF] =	sst s2;
	s3 =	sadd.s32 $0x600, s3;
	s7 =	simm.s32 @!p0 $0x0  }
0x8: {  	s8 =	ssub.s32 $0x2, s5;
	_ =	strace $0x80000047;
	s7 =	ssub.s32 s0, s7  }
0x9: {  	s5 =	sshll.u32 s5, $0xB;
	s9 =	sshrl.u32 s8, $0x1;
	s31 =	sshll.u32 s4, $0x8;
	v0 =	vmov s7  }
0xa: {  	v1 =	vlaneseq.u32;
	s4 =	simm.s32 $0x1;
	s8 =	ssub.s32 s8, s9;
	s6 =	sadd.s32 s6, s31;
	v0 =	vadd.s32 $0x2000, v0  }
0xb: {  	v1 =	vadd.s32 $0xFFFFF801, v1;
	s9 =	simm.s32 $0x0;
	s7 =	smax.u32 s8, $0x1;
	s8 =	simm.s32 $0x4080;
	v0 =	vbroadcast v0, $0x0  }
.LBB2_1:
0xc: {  	v2 =	vadd.s32 s5, v1  }
0xd: {  	vm0 =	vgt.s32 v2, $0xFFFFFE00  }
0xe: {  	v2 =	vnsel vm0, $0xFFFFFE00, v2  }
0xf: {  	vm0 =	vlt.s32 v2, $0x200  }
0x10: {  	v2 =	vnsel vm0, $0x200, v2  }
0x11: {  	s11 =	sadd.s32 $0x10, s5;
	v2 =	vshll.u32 v2, $0x4  }
0x12: {  	v3 =	vadd.s32 s11, v1;
	v2 =	vadd.s32 v0, v2  }
0x13: {  	[tilespmem:s2], [sflag:$0x1] =	stream.linear.gather [hbm4b:s3+s2], $0x4080, $0x38;
	vm15 =	vgt.s32 v3, $0xFFFFFE00;
	[tilespmem:$0x4880] =	vst v63  }
0x14: {  	_ =	swait.ge [sflag:s4], $0x4080;
	v3 =	vnsel vm15, $0xFFFFFE00, v3  }
0x15: {  	[sflag:s4] =	ssyncset.done $0x0;
	vm0 =	vlt.s32 v3, $0x200  }
0x16: {  	[sflag:s4] =	ssyncadd.s32 $0xFFFFBF80;
	v3 =	vnsel vm0, $0x200, v3  }
0x17: {  	v4 =	vshll.u32 v3, $0x4;
	v3 =	vld.idx.msk [tilespmem:v2+s2+$0x0], $0xffff  }
0x18: {  	s10 =	simm.s32 $0x40;
	s12 =	sadd.s32 $0x10, s11;
	v2 =	vadd.s32 v0, v4  }
0x19: {  	s14 =	simm.s32 $0xC0;
	s13 =	simm.s32 $0x0;
	s11 =	simm.s32 $0x80;
	v4 =	vadd.s32 s12, v1  }
.LBB2_2:
0x1a: {  	p0 =	sne.s32 s14, $0x1FC0;
	vm0 =	vgt.s32 v4, $0xFFFFFE00  }
0x1b: {  	s15 =	sshra.s32 s13, $0x2;
	s13 =	smov.u32 s10;
	s10 =	smov.u32 s11;
	v4 =	vnsel vm0, $0xFFFFFE00, v4  }
.Ltmp0:
0x1c: {  	s11 =	smov.u32 s14;
	vm0 =	vlt.s32 v4, $0x200;
	[tilespmem:s15+$0x4080] =	vst v3;
	(pc) =	sbr.rel @p0 .LBB2_2-.Ltmp0, $4  }
0x1d: {  	v4 =	vnsel vm0, $0x200, v4;
	v3 =	vld.idx.msk [tilespmem:v2+s2+$0x0], $0xffff  }
0x1e: {  	v2 =	vshll.u32 v4, $0x4  }
0x1f: {  	s12 =	sadd.s32 $0x10, s12;
	v2 =	vadd.s32 v0, v2  }
0x20: {  	s14 =	sadd.s32 $0x40, s14;
	v4 =	vadd.s32 s12, v1  }
0x21: {  	vm0 =	vgt.s32 v4, $0xFFFFFE00  }
0x22: {  	v4 =	vnsel vm0, $0xFFFFFE00, v4  }
0x23: {  	s12 =	sshra.s32 s13, $0x2;
	vm0 =	vlt.s32 v4, $0x200  }
0x24: {  	[tilespmem:s12+$0x4080] =	vst v3;
	v3 =	vnsel vm0, $0x200, v4  }
0x25: {  	v2 =	vld.idx.msk [tilespmem:v2+s2+$0x0], $0xffff;
	v3 =	vshll.u32 v3, $0x4  }
0x26: {  	v3 =	vadd.s32 v0, v3;
	_ =	sdelay $0x2  }
0x27: {  	s10 =	sshra.s32 s10, $0x2  }
0x28: {  	[tilespmem:s10+$0x4080] =	vst v2  }
0x29: {  	v2 =	vld.idx.msk [tilespmem:v3+s2+$0x0], $0xffff;
	_ =	sdelay $0x2  }
0x2a: {  	s9 =	sadd.s32 $0x1, s9  }
0x2b: {  	s31 =	sshra.s32 s11, $0x2;
	p0 =	sne.s32 s9, s7  }
.Ltmp1:
0x2c: {  	[tilespmem:s31+$0x4080] =	vst v2;
	(pc) =	sbr.rel @p0 .LBB2_1-.Ltmp1, $4  }
0x2d: {  	[hbm4b:s6+s2] =	stream.linear.scatter [tilespmem:s8], [sflag:$0x1], $0x800, $0x38;
	[tilespmem:$0x4880] =	vst v63  }
0x2e: {  	_ =	swait.ge [sflag:s4], $0x800  }
0x2f: {  	[sflag:s4] =	ssyncset.done $0x0  }
0x30: {  	[sflag:s4] =	ssyncadd.s32 $0xFFFFF800  }
0x31: {  	_ =	sfence.sel $0x180000  }
0x32: {  	[bflag:$0x0] =	sbarrier.arrive $0xFFFF  }
0x33: {  	p0 =	sne.s32 s0, $0x0;
	_ =	strace $0x90000047  }
0x34: {  	s0 =	sadd.s32 @!p0 $0x100000, s1;
	[bflag:$0x2] =	sbarrier.arrive $0xFFFF  }
0x35: {  	[sflag:s0] =	ssyncadd.tile.s32 @!p0 $0x1;
	_ =	shalt  }
.Lfunc_end2:
_tile_overlayer_lowered:
.L_overlay_start_2:
0x36: {  	(tag) =	ssettag $0x2  }
0x37: {  	s0 =	rddreg [dreg:$0x0];
	s2 =	stileid.u32  }
0x38: {  	s1 =	rddreg [dreg:$0x1];
	p0 =	sne.s32 s2, $0x0  }
0x39: {  	s3 =	rddreg [dreg:$0x2];
	[bflag:$0x3] =	sbarrier.arrive $0xFFFF;
	s2 =	simm.s32 @!p0 $0x1C01  }
0x3a: {  	[timem:s3], [sflag:s2] =	dma.local @!p0 [hbm:s0], s1  }
0x3b: {  	s0 =	simm.s32 @!p0 $0x1  }
0x3c: {  	_ =	swait.ge @!p0 [sflag:s0], s1  }
0x3d: {  	s1 =	ssub.s32 @!p0 $0x0, s1;
	[sflag:s0] =	ssyncset.done @!p0 $0x0  }
0x3e: {  	[sflag:s0] =	ssyncadd.s32 @!p0 s1  }
0x3f: {  	[bflag:$0x3] =	sbarrier.arrive $0xFFFF  }
0x40: {  	_ =	shalt  }

</sc_bundles>
